<compile_context>
chip_gen: v7x
topology: tpu7x:2x2x1
jax: 0.10.2.dev20260603
libtpu: 0.0.44.dev20260713+nightly
codegen_flags: <defaults>
</compile_context>

<pallas_src>
import functools

import jax
import jax.numpy as jnp
from jax import lax
from jax.experimental import pallas as pl
from jax.experimental.pallas import tpu as pltpu
from jax.experimental.pallas import tpu_sc as plsc

_NC = 2
_NS = 16
_DS = 4
_KE = 8000


@functools.cache
def _make_agg(N, NP, D, E, with_deg):
    NW = _NC * _NS
    assert D == _DS * NW and E % _KE == 0 and _KE % 16 == 0
    assert NP % 128 == 0 and N <= NP
    CH = E // _KE
    SLAB = _DS * NP
    ACC = (_DS + (1 if with_deg else 0)) * NP

    mesh = plsc.VectorSubcoreMesh(
        core_axis_name="c", subcore_axis_name="s",
        num_cores=_NC, num_subcores=_NS)

    out_type = [jax.ShapeDtypeStruct((NW * SLAB,), jnp.float32)]
    if with_deg:
        out_type.append(jax.ShapeDtypeStruct((NP,), jnp.float32))
    out_type = tuple(out_type) if with_deg else out_type[0]
    scratch = [
        pltpu.VMEM((_KE,), jnp.int32),
        pltpu.VMEM((_KE,), jnp.int32),
        pltpu.VMEM((_KE,), jnp.int32),
        pltpu.VMEM((_KE,), jnp.int32),
        pltpu.VMEM((SLAB,), jnp.float32),
        pltpu.VMEM((ACC,), jnp.float32),
        pltpu.SemaphoreType.DMA,
        pltpu.SemaphoreType.DMA,
    ]

    def body(xt_h, src_h, dst_h, out_h, *rest):
        if with_deg:
            (deg_h, sidx, didx, sidx2, didx2, slab, acc,
             sem, sem2) = rest
        else:
            sidx, didx, sidx2, didx2, slab, acc, sem, sem2 = rest
        cid = lax.axis_index("c")
        sid = lax.axis_index("s")
        wg = cid * _NS + sid

        sbase = pl.multiple_of(wg * SLAB, SLAB)
        pltpu.sync_copy(xt_h.at[pl.ds(sbase, SLAB)], slab)

        def zrow(i, carry):
            acc[pl.ds(i * 16, 16)] = jnp.zeros((16,), jnp.float32)
            return carry
        lax.fori_loop(0, ACC // 16, zrow, 0)

        ones = jnp.ones((16,), jnp.float32)
        bufs = ((sidx, didx, sem), (sidx2, didx2, sem2))

        def start_fetch(c, buf):
            si, di, sm = buf
            rel = jnp.minimum(c * _KE, E - _KE)
            base = pl.multiple_of(rel, _KE)
            pltpu.async_copy(src_h.at[pl.ds(base, _KE)], si, sm)
            pltpu.async_copy(dst_h.at[pl.ds(base, _KE)], di, sm)

        def wait_fetch(buf):
            si, di, sm = buf
            pltpu.make_async_copy(src_h.at[pl.ds(0, _KE)], si, sm).wait()
            pltpu.make_async_copy(dst_h.at[pl.ds(0, _KE)], di, sm).wait()

        def run_chunk(buf):
            si, di, sm = buf

            @plsc.parallel_loop(0, _KE // 16, unroll=4)
            def group(g):
                s16 = si[pl.ds(g * 16, 16)]
                d16 = di[pl.ds(g * 16, 16)]
                for c in range(_DS):
                    v = plsc.load_gather(slab, [s16 + (c * NP)])
                    plsc.addupdate_scatter(acc, [d16 + (c * NP)], v)
                if with_deg:
                    plsc.addupdate_scatter(acc, [d16 + (_DS * NP)], ones)

        start_fetch(0, bufs[0])
        start_fetch(1, bufs[1])

        def chunkpair(p, carry):
            c = p * 2
            wait_fetch(bufs[0])
            run_chunk(bufs[0])
            start_fetch(c + 2, bufs[0])
            wait_fetch(bufs[1])
            run_chunk(bufs[1])
            start_fetch(c + 3, bufs[1])
            return carry

        assert CH % 2 == 0
        lax.fori_loop(0, CH // 2, chunkpair, 0)
        wait_fetch(bufs[0])
        wait_fetch(bufs[1])

        pltpu.sync_copy(acc.at[pl.ds(0, SLAB)], out_h.at[pl.ds(sbase, SLAB)])

        if with_deg:
            @pl.when(wg == 0)
            def _():
                pltpu.sync_copy(acc.at[pl.ds(_DS * NP, NP)], deg_h)

    return pl.kernel(
        body, out_type=out_type, mesh=mesh, scratch_types=scratch,
        compiler_params=pltpu.CompilerParams(needs_layout_passes=False))


@functools.cache
def _make_xt(N, NP, D):
    def body(x_ref, o_ref):
        xt = x_ref[:].T
        o_ref[:] = jnp.concatenate(
            [xt, jnp.zeros((D, NP - N), jnp.float32)], axis=1)

    return pl.pallas_call(
        body, out_shape=jax.ShapeDtypeStruct((D, NP), jnp.float32))


@functools.cache
def _make_layer(N, NP, D, H):
    def body(at_ref, d_ref, x_ref, wl_ref, wr_ref, bl_ref, o_ref, ot_ref):
        inv = 1.0 / jnp.maximum(d_ref[:, :N], 1.0)
        a = at_ref[:, :N] * inv
        dn = (((0,), (0,)), ((), ()))
        h = lax.dot_general(a, wl_ref[:], dn,
                            preferred_element_type=jnp.float32)
        h = h + jnp.dot(x_ref[:], wr_ref[:],
                        preferred_element_type=jnp.float32)
        h = jnp.maximum(h + bl_ref[:], 0.0)
        o_ref[:] = h
        ot_ref[:] = jnp.concatenate(
            [h.T, jnp.zeros((H, NP - N), jnp.float32)], axis=1)

    return pl.pallas_call(
        body, out_shape=(jax.ShapeDtypeStruct((N, H), jnp.float32),
                         jax.ShapeDtypeStruct((H, NP), jnp.float32)))


@functools.cache
def _make_final(N, NP, H, G, C):
    def body(at_ref, d_ref, x_ref, wl_ref, wr_ref, bl_ref,
             b_ref, wc_ref, bc_ref, o_ref):
        inv = 1.0 / jnp.maximum(d_ref[:, :N], 1.0)
        a = at_ref[:, :N] * inv
        dn = (((0,), (0,)), ((), ()))
        h = lax.dot_general(a, wl_ref[:], dn,
                            preferred_element_type=jnp.float32)
        h = h + jnp.dot(x_ref[:], wr_ref[:],
                        preferred_element_type=jnp.float32)
        h = jnp.maximum(h + bl_ref[:], 0.0)

        onehot = (b_ref[:] == lax.broadcasted_iota(jnp.int32, (N, G), 1))
        onehot = onehot.astype(jnp.float32)
        sums = lax.dot_general(onehot, h, dn,
                               preferred_element_type=jnp.float32)
        cnts = lax.dot_general(onehot, jnp.ones((N, 1), jnp.float32), dn,
                               preferred_element_type=jnp.float32)
        pooled = sums / jnp.maximum(cnts, 1.0)
        o_ref[:] = (jnp.dot(pooled, wc_ref[:],
                            preferred_element_type=jnp.float32) + bc_ref[:])

    return pl.pallas_call(
        body, out_shape=jax.ShapeDtypeStruct((G, C), jnp.float32))


def kernel(x, edge_index, batch, Wl1, bl1, Wr1, Wl2, bl2, Wr2, Wc, bc):
    N, D = x.shape
    H = Wl1.shape[1]
    C = Wc.shape[1]
    G = 128
    E = edge_index.shape[1]
    src = edge_index[0]
    dst = edge_index[1]
    NP = ((N + 127) // 128) * 128

    xt = _make_xt(N, NP, D)(x).reshape(-1)
    aggt1, deg = _make_agg(N, NP, D, E, True)(xt, src, dst)
    h1, h1t = _make_layer(N, NP, D, H)(
        aggt1.reshape(D, NP), deg.reshape(1, NP), x, Wl1, Wr1,
        bl1.reshape(1, H))
    aggt2 = _make_agg(N, NP, H, E, False)(h1t.reshape(-1), src, dst)
    out = _make_final(N, NP, H, G, C)(
        aggt2.reshape(H, NP), deg.reshape(1, NP), h1, Wl2, Wr2,
        bl2.reshape(1, H), batch.reshape(N, 1), Wc, bc.reshape(1, C))
    return out

# --- scband reference (transcript-rebuilt; emitter-appended) ---
"""Pipeline reference for scband-graph-sage-13889924235783 (READ-ONLY COPY).

The authoritative reference and input builder live on the scoring server;
editing this copy changes nothing except your own understanding.
"""

import jax, jax.numpy as jnp
import numpy as np

N = 10000   # nodes
E = 320000  # edges
D = 128     # in_channels
H = 128     # hidden_channels
C = 40      # num_classes
G = 128     # number of graphs in batch


def setup_inputs(seed: int = 0) -> dict:
    key = jax.random.key(seed)
    ks = jax.random.split(key, 12)
    x = jax.random.normal(ks[0], (N, D), dtype=jnp.float32)
    edge_index = jax.random.randint(ks[1], (2, E), 0, N, dtype=jnp.int32)
    batch = jnp.sort(jax.random.randint(ks[2], (N,), 0, G, dtype=jnp.int32))
    # SAGEConv params: lin_l (aggregated neighbors, with bias), lin_r (root, no bias)
    Wl1 = jax.random.normal(ks[3], (D, H), dtype=jnp.float32) * (1.0 / np.sqrt(D))
    bl1 = jnp.zeros((H,), dtype=jnp.float32)
    Wr1 = jax.random.normal(ks[4], (D, H), dtype=jnp.float32) * (1.0 / np.sqrt(D))
    Wl2 = jax.random.normal(ks[5], (H, H), dtype=jnp.float32) * (1.0 / np.sqrt(H))
    bl2 = jnp.zeros((H,), dtype=jnp.float32)
    Wr2 = jax.random.normal(ks[6], (H, H), dtype=jnp.float32) * (1.0 / np.sqrt(H))
    Wc = jax.random.normal(ks[7], (H, C), dtype=jnp.float32) * (1.0 / np.sqrt(H))
    bc = jnp.zeros((C,), dtype=jnp.float32)
    return {"x": x, "edge_index": edge_index, "batch": batch,
            "Wl1": Wl1, "bl1": bl1, "Wr1": Wr1,
            "Wl2": Wl2, "bl2": bl2, "Wr2": Wr2,
            "Wc": Wc, "bc": bc}


def _sage_conv(x, edge_index, Wl, bl, Wr):
    # PyG SAGEConv, aggr='mean': out = lin_l(mean_j x_j) + lin_r(x_i)
    src = edge_index[0]
    dst = edge_index[1]
    msgs = jnp.take(x, src, axis=0)                       # gather (SparseCore)
    agg = jax.ops.segment_sum(msgs, dst, num_segments=N)  # scatter-add
    deg = jax.ops.segment_sum(jnp.ones((E,), dtype=x.dtype), dst, num_segments=N)
    mean = agg / jnp.maximum(deg, 1.0)[:, None]
    return mean @ Wl + bl + x @ Wr


def reference(x, edge_index, batch, Wl1, bl1, Wr1, Wl2, bl2, Wr2, Wc, bc):
    h = jax.nn.relu(_sage_conv(x, edge_index, Wl1, bl1, Wr1))
    h = jax.nn.relu(_sage_conv(h, edge_index, Wl2, bl2, Wr2))
    # global_mean_pool over batch assignment
    sums = jax.ops.segment_sum(h, batch, num_segments=G)
    cnts = jax.ops.segment_sum(jnp.ones((N,), dtype=h.dtype), batch, num_segments=G)
    pooled = sums / jnp.maximum(cnts, 1.0)[:, None]
    return pooled @ Wc + bc

if __name__ == "__main__":
    import jax
    _d = setup_inputs()
    print(jax.jit(kernel)(*tuple(_d.values())))

</pallas_src>

<mosaic_0001>
#map = affine_map<(d0, d1) -> (0)>
module attributes {stable_mosaic.version = 14 : i64} {
  func.func @body(%arg0: i32, %arg1: i32, %arg2: memref<1294336xf32, #tpu.memory_space<hbm>>, %arg3: memref<320000xi32, #tpu.memory_space<hbm>>, %arg4: memref<320000xi32, #tpu.memory_space<hbm>>, %arg5: memref<1294336xf32, #tpu.memory_space<hbm>>, %arg6: memref<8000xi32, #tpu.memory_space<vmem>>, %arg7: memref<8000xi32, #tpu.memory_space<vmem>>, %arg8: memref<8000xi32, #tpu.memory_space<vmem>>, %arg9: memref<8000xi32, #tpu.memory_space<vmem>>, %arg10: memref<40448xf32, #tpu.memory_space<vmem>>, %arg11: memref<40448xf32, #tpu.memory_space<vmem>>, %arg12: memref<!tpu.dma_semaphore, #tpu.memory_space<semaphore_mem>>, %arg13: memref<!tpu.dma_semaphore, #tpu.memory_space<semaphore_mem>>) attributes {dimension_semantics = [#tpu.dimension_semantics<core_parallel>, #tpu.dimension_semantics<subcore_parallel>], iteration_bounds = array<i64: 2, 16>, scalar_prefetch = 0 : i64, scratch_operands = 8 : i64, tpu.core_type = #tpu.core_type<sc_vector_subcore>, window_params = [{transform_indices = #map}, {transform_indices = #map}, {transform_indices = #map}, {transform_indices = #map}]} {
    %mul3A = arith.constant 16 : i32
    %mul3A_0 = arith.muli %arg0, %mul3A : i32
    %add3A = arith.addi %mul3A_0, %arg1 : i32
    %mul3A_1 = arith.constant 40448 : i32
    %mul3A_2 = arith.muli %add3A, %mul3A_1 : i32
    %multiple_of3A = tpu.assume_multiple %mul3A_2, 40448 : i32
    "tpu.region"() ({
      %run_scoped3A = tpu.sem_alloc : memref<!tpu.dma_semaphore, #tpu.memory_space<semaphore_mem>>
      %dma_start3A_44 = tpu.memref_slice %arg2[%multiple_of3A] : memref<1294336xf32, #tpu.memory_space<hbm>> -> memref<40448xf32, #tpu.memory_space<hbm>>
      %dma_start3A_45 = tpu.memref_slice %arg2[%multiple_of3A] : memref<1294336xf32, #tpu.memory_space<hbm>> -> memref<40448xf32, #tpu.memory_space<hbm>>
      tpu.enqueue_dma source(%dma_start3A_45 : memref<40448xf32, #tpu.memory_space<hbm>>) target(%arg10 : memref<40448xf32, #tpu.memory_space<vmem>>) target_semaphore(%run_scoped3A : memref<!tpu.dma_semaphore, #tpu.memory_space<semaphore_mem>>)
      %dma_wait3A_46 = tpu.memref_slice %arg2[%multiple_of3A] : memref<1294336xf32, #tpu.memory_space<hbm>> -> memref<40448xf32, #tpu.memory_space<hbm>>
      %dma_wait3A_47 = tpu.memref_slice %arg2[%multiple_of3A] : memref<1294336xf32, #tpu.memory_space<hbm>> -> memref<40448xf32, #tpu.memory_space<hbm>>
      tpu.wait_dma2 semaphore(%run_scoped3A : memref<!tpu.dma_semaphore, #tpu.memory_space<semaphore_mem>>) src(%dma_wait3A_47 : memref<40448xf32, #tpu.memory_space<hbm>>) dst(%arg10 : memref<40448xf32, #tpu.memory_space<vmem>>)
      tpu.yield
    }) : () -> ()
    %scan3A = arith.constant 0 : i32
    %scan3A_3 = arith.constant 0 : i32
    %scan3A_4 = arith.constant 2528 : i32
    %scan3A_5 = arith.addi %scan3A_3, %scan3A_4 : i32
    %scan3A_6 = arith.constant 1 : i32
    scf.for %scan3A_44 = %scan3A_3 to %scan3A_5 step %scan3A_6  : i32 {
      %broadcast_in_dim3A_45 = arith.constant 0.000000e+00 : f32
      %broadcast_in_dim3A_46 = vector.broadcast %broadcast_in_dim3A_45 : f32 to vector<16xf32>
      %mul3A_47 = arith.constant 16 : i32
      %mul3A_48 = arith.muli %scan3A_44, %mul3A_47 : i32
      %swap3A = arith.index_cast %mul3A_48 : i32 to index
      %swap3A_49 = tpu.vector_load %arg11[%swap3A] {strides = array<i32>} : memref<40448xf32, #tpu.memory_space<vmem>>, vector<16xf32>,
      tpu.vector_store %arg11[%swap3A], %broadcast_in_dim3A_46 {strides = array<i32>} : memref<40448xf32, #tpu.memory_space<vmem>>, vector<16xf32>,
    }
    %scan3A_7 = arith.constant 2528 : i32
    %broadcast_in_dim3A = arith.constant 1.000000e+00 : f32
    %broadcast_in_dim3A_8 = vector.broadcast %broadcast_in_dim3A : f32 to vector<16xf32>
    %min3A = arith.constant 0 : i32
    %min3A_9 = arith.constant 312000 : i32
    %min3A_10 = arith.minsi %min3A, %min3A_9 : i32
    %multiple_of3A_11 = tpu.assume_multiple %min3A_10, 8000 : i32
    %dma_start3A = tpu.memref_slice %arg3[%multiple_of3A_11] : memref<320000xi32, #tpu.memory_space<hbm>> -> memref<8000xi32, #tpu.memory_space<hbm>>
    %dma_start3A_12 = tpu.memref_slice %arg3[%multiple_of3A_11] : memref<320000xi32, #tpu.memory_space<hbm>> -> memref<8000xi32, #tpu.memory_space<hbm>>
    tpu.enqueue_dma source(%dma_start3A_12 : memref<8000xi32, #tpu.memory_space<hbm>>) target(%arg6 : memref<8000xi32, #tpu.memory_space<vmem>>) target_semaphore(%arg12 : memref<!tpu.dma_semaphore, #tpu.memory_space<semaphore_mem>>)
    %dma_start3A_13 = tpu.memref_slice %arg4[%multiple_of3A_11] : memref<320000xi32, #tpu.memory_space<hbm>> -> memref<8000xi32, #tpu.memory_space<hbm>>
    %dma_start3A_14 = tpu.memref_slice %arg4[%multiple_of3A_11] : memref<320000xi32, #tpu.memory_space<hbm>> -> memref<8000xi32, #tpu.memory_space<hbm>>
    tpu.enqueue_dma source(%dma_start3A_14 : memref<8000xi32, #tpu.memory_space<hbm>>) target(%arg7 : memref<8000xi32, #tpu.memory_space<vmem>>) target_semaphore(%arg12 : memref<!tpu.dma_semaphore, #tpu.memory_space<semaphore_mem>>)
    %min3A_15 = arith.constant 8000 : i32
    %min3A_16 = arith.constant 312000 : i32
    %min3A_17 = arith.minsi %min3A_15, %min3A_16 : i32
    %multiple_of3A_18 = tpu.assume_multiple %min3A_17, 8000 : i32
    %dma_start3A_19 = tpu.memref_slice %arg3[%multiple_of3A_18] : memref<320000xi32, #tpu.memory_space<hbm>> -> memref<8000xi32, #tpu.memory_space<hbm>>
    %dma_start3A_20 = tpu.memref_slice %arg3[%multiple_of3A_18] : memref<320000xi32, #tpu.memory_space<hbm>> -> memref<8000xi32, #tpu.memory_space<hbm>>
    tpu.enqueue_dma source(%dma_start3A_20 : memref<8000xi32, #tpu.memory_space<hbm>>) target(%arg8 : memref<8000xi32, #tpu.memory_space<vmem>>) target_semaphore(%arg13 : memref<!tpu.dma_semaphore, #tpu.memory_space<semaphore_mem>>)
    %dma_start3A_21 = tpu.memref_slice %arg4[%multiple_of3A_18] : memref<320000xi32, #tpu.memory_space<hbm>> -> memref<8000xi32, #tpu.memory_space<hbm>>
    %dma_start3A_22 = tpu.memref_slice %arg4[%multiple_of3A_18] : memref<320000xi32, #tpu.memory_space<hbm>> -> memref<8000xi32, #tpu.memory_space<hbm>>
    tpu.enqueue_dma source(%dma_start3A_22 : memref<8000xi32, #tpu.memory_space<hbm>>) target(%arg9 : memref<8000xi32, #tpu.memory_space<vmem>>) target_semaphore(%arg13 : memref<!tpu.dma_semaphore, #tpu.memory_space<semaphore_mem>>)
    %scan3A_23 = arith.constant 0 : i32
    %scan3A_24 = arith.constant 0 : i32
    %scan3A_25 = arith.constant 20 : i32
    %scan3A_26 = arith.addi %scan3A_24, %scan3A_25 : i32
    %scan3A_27 = arith.constant 1 : i32
    scf.for %scan3A_44 = %scan3A_24 to %scan3A_26 step %scan3A_27  : i32 {
      %mul3A_45 = arith.constant 2 : i32
      %mul3A_46 = arith.muli %scan3A_44, %mul3A_45 : i32
      %dma_wait3A_47 = arith.constant 0 : i32
      %dma_wait3A_48 = tpu.memref_slice %arg3[%dma_wait3A_47] : memref<320000xi32, #tpu.memory_space<hbm>> -> memref<8000xi32, #tpu.memory_space<hbm>>
      %dma_wait3A_49 = arith.constant 0 : i32
      %dma_wait3A_50 = tpu.memref_slice %arg3[%dma_wait3A_49] : memref<320000xi32, #tpu.memory_space<hbm>> -> memref<8000xi32, #tpu.memory_space<hbm>>
      tpu.wait_dma2 semaphore(%arg12 : memref<!tpu.dma_semaphore, #tpu.memory_space<semaphore_mem>>) src(%dma_wait3A_50 : memref<8000xi32, #tpu.memory_space<hbm>>) dst(%arg6 : memref<8000xi32, #tpu.memory_space<vmem>>)
      %dma_wait3A_51 = arith.constant 0 : i32
      %dma_wait3A_52 = tpu.memref_slice %arg4[%dma_wait3A_51] : memref<320000xi32, #tpu.memory_space<hbm>> -> memref<8000xi32, #tpu.memory_space<hbm>>
      %dma_wait3A_53 = arith.constant 0 : i32
      %dma_wait3A_54 = tpu.memref_slice %arg4[%dma_wait3A_53] : memref<320000xi32, #tpu.memory_space<hbm>> -> memref<8000xi32, #tpu.memory_space<hbm>>
      tpu.wait_dma2 semaphore(%arg12 : memref<!tpu.dma_semaphore, #tpu.memory_space<semaphore_mem>>) src(%dma_wait3A_54 : memref<8000xi32, #tpu.memory_space<hbm>>) dst(%arg7 : memref<8000xi32, #tpu.memory_space<vmem>>)
      %parallel_loop3A = arith.constant 0 : i32
      %parallel_loop3A_55 = arith.constant 500 : i32
      %parallel_loop3A_56 = arith.constant 1 : i32
      scf.for %parallel_loop3A_90 = %parallel_loop3A to %parallel_loop3A_55 step %parallel_loop3A_56  : i32 {
        %parallel_loop3A_91 = arith.constant 16 : i32
        %parallel_loop3A_92 = arith.muli %parallel_loop3A_90, %parallel_loop3A_91 : i32
        %parallel_loop3A_93 = arith.index_cast %parallel_loop3A_92 : i32 to index
        %parallel_loop3A_94 = tpu.vector_load %arg6[%parallel_loop3A_93] {strides = array<i32>} : memref<8000xi32, #tpu.memory_space<vmem>>, vector<16xi32>,
        %parallel_loop3A_95 = arith.constant 16 : i32
        %parallel_loop3A_96 = arith.muli %parallel_loop3A_90, %parallel_loop3A_95 : i32
        %parallel_loop3A_97 = arith.index_cast %parallel_loop3A_96 : i32 to index
        %parallel_loop3A_98 = tpu.vector_load %arg7[%parallel_loop3A_97] {strides = array<i32>} : memref<8000xi32, #tpu.memory_space<vmem>>, vector<16xi32>,
        %parallel_loop3A_99 = arith.constant 0 : i32
        %parallel_loop3A_100 = vector.broadcast %parallel_loop3A_99 : i32 to vector<16xi32>
        %parallel_loop3A_101 = arith.addi %parallel_loop3A_94, %parallel_loop3A_100 : vector<16xi32>
        %parallel_loop3A_102 = tpu.vector_load_idx %arg10[%parallel_loop3A_101] : memref<40448xf32, #tpu.memory_space<vmem>>[vector<16xi32>], vector<16xf32>,
        %parallel_loop3A_103 = arith.constant 0 : i32
        %parallel_loop3A_104 = vector.broadcast %parallel_loop3A_103 : i32 to vector<16xi32>
        %parallel_loop3A_105 = arith.addi %parallel_loop3A_98, %parallel_loop3A_104 : vector<16xi32>
        tpu.vector_store_idx %arg11[%parallel_loop3A_105], %parallel_loop3A_102 {add = true} : memref<40448xf32, #tpu.memory_space<vmem>>[vector<16xi32>], vector<16xf32>,
        %parallel_loop3A_106 = arith.constant 10112 : i32
        %parallel_loop3A_107 = vector.broadcast %parallel_loop3A_106 : i32 to vector<16xi32>
        %parallel_loop3A_108 = arith.addi %parallel_loop3A_94, %parallel_loop3A_107 : vector<16xi32>
        %parallel_loop3A_109 = tpu.vector_load_idx %arg10[%parallel_loop3A_108] : memref<40448xf32, #tpu.memory_space<vmem>>[vector<16xi32>], vector<16xf32>,
        %parallel_loop3A_110 = arith.constant 10112 : i32
        %parallel_loop3A_111 = vector.broadcast %parallel_loop3A_110 : i32 to vector<16xi32>
        %parallel_loop3A_112 = arith.addi %parallel_loop3A_98, %parallel_loop3A_111 : vector<16xi32>
        tpu.vector_store_idx %arg11[%parallel_loop3A_112], %parallel_loop3A_109 {add = true} : memref<40448xf32, #tpu.memory_space<vmem>>[vector<16xi32>], vector<16xf32>,
        %parallel_loop3A_113 = arith.constant 20224 : i32
        %parallel_loop3A_114 = vector.broadcast %parallel_loop3A_113 : i32 to vector<16xi32>
        %parallel_loop3A_115 = arith.addi %parallel_loop3A_94, %parallel_loop3A_114 : vector<16xi32>
        %parallel_loop3A_116 = tpu.vector_load_idx %arg10[%parallel_loop3A_115] : memref<40448xf32, #tpu.memory_space<vmem>>[vector<16xi32>], vector<16xf32>,
        %parallel_loop3A_117 = arith.constant 20224 : i32
        %parallel_loop3A_118 = vector.broadcast %parallel_loop3A_117 : i32 to vector<16xi32>
        %parallel_loop3A_119 = arith.addi %parallel_loop3A_98, %parallel_loop3A_118 : vector<16xi32>
        tpu.vector_store_idx %arg11[%parallel_loop3A_119], %parallel_loop3A_116 {add = true} : memref<40448xf32, #tpu.memory_space<vmem>>[vector<16xi32>], vector<16xf32>,
        %parallel_loop3A_120 = arith.constant 30336 : i32
        %parallel_loop3A_121 = vector.broadcast %parallel_loop3A_120 : i32 to vector<16xi32>
        %parallel_loop3A_122 = arith.addi %parallel_loop3A_94, %parallel_loop3A_121 : vector<16xi32>
        %parallel_loop3A_123 = tpu.vector_load_idx %arg10[%parallel_loop3A_122] : memref<40448xf32, #tpu.memory_space<vmem>>[vector<16xi32>], vector<16xf32>,
        %parallel_loop3A_124 = arith.constant 30336 : i32
        %parallel_loop3A_125 = vector.broadcast %parallel_loop3A_124 : i32 to vector<16xi32>
        %parallel_loop3A_126 = arith.addi %parallel_loop3A_98, %parallel_loop3A_125 : vector<16xi32>
        tpu.vector_store_idx %arg11[%parallel_loop3A_126], %parallel_loop3A_123 {add = true} : memref<40448xf32, #tpu.memory_space<vmem>>[vector<16xi32>], vector<16xf32>,
      } {sc.loop_unroll_factor = 4 : i64, sc.parallel_access}
      %add3A_57 = arith.constant 2 : i32
      %add3A_58 = arith.addi %mul3A_46, %add3A_57 : i32
      %mul3A_59 = arith.constant 8000 : i32
      %mul3A_60 = arith.muli %add3A_58, %mul3A_59 : i32
      %min3A_61 = arith.constant 312000 : i32
      %min3A_62 = arith.minsi %mul3A_60, %min3A_61 : i32
      %multiple_of3A_63 = tpu.assume_multiple %min3A_62, 8000 : i32
      %dma_start3A_64 = tpu.memref_slice %arg3[%multiple_of3A_63] : memref<320000xi32, #tpu.memory_space<hbm>> -> memref<8000xi32, #tpu.memory_space<hbm>>
      %dma_start3A_65 = tpu.memref_slice %arg3[%multiple_of3A_63] : memref<320000xi32, #tpu.memory_space<hbm>> -> memref<8000xi32, #tpu.memory_space<hbm>>
      tpu.enqueue_dma source(%dma_start3A_65 : memref<8000xi32, #tpu.memory_space<hbm>>) target(%arg6 : memref<8000xi32, #tpu.memory_space<vmem>>) target_semaphore(%arg12 : memref<!tpu.dma_semaphore, #tpu.memory_space<semaphore_mem>>)
      %dma_start3A_66 = tpu.memref_slice %arg4[%multiple_of3A_63] : memref<320000xi32, #tpu.memory_space<hbm>> -> memref<8000xi32, #tpu.memory_space<hbm>>
      %dma_start3A_67 = tpu.memref_slice %arg4[%multiple_of3A_63] : memref<320000xi32, #tpu.memory_space<hbm>> -> memref<8000xi32, #tpu.memory_space<hbm>>
      tpu.enqueue_dma source(%dma_start3A_67 : memref<8000xi32, #tpu.memory_space<hbm>>) target(%arg7 : memref<8000xi32, #tpu.memory_space<vmem>>) target_semaphore(%arg12 : memref<!tpu.dma_semaphore, #tpu.memory_space<semaphore_mem>>)
      %dma_wait3A_68 = arith.constant 0 : i32
      %dma_wait3A_69 = tpu.memref_slice %arg3[%dma_wait3A_68] : memref<320000xi32, #tpu.memory_space<hbm>> -> memref<8000xi32, #tpu.memory_space<hbm>>
      %dma_wait3A_70 = arith.constant 0 : i32
      %dma_wait3A_71 = tpu.memref_slice %arg3[%dma_wait3A_70] : memref<320000xi32, #tpu.memory_space<hbm>> -> memref<8000xi32, #tpu.memory_space<hbm>>
      tpu.wait_dma2 semaphore(%arg13 : memref<!tpu.dma_semaphore, #tpu.memory_space<semaphore_mem>>) src(%dma_wait3A_71 : memref<8000xi32, #tpu.memory_space<hbm>>) dst(%arg8 : memref<8000xi32, #tpu.memory_space<vmem>>)
      %dma_wait3A_72 = arith.constant 0 : i32
      %dma_wait3A_73 = tpu.memref_slice %arg4[%dma_wait3A_72] : memref<320000xi32, #tpu.memory_space<hbm>> -> memref<8000xi32, #tpu.memory_space<hbm>>
      %dma_wait3A_74 = arith.constant 0 : i32
      %dma_wait3A_75 = tpu.memref_slice %arg4[%dma_wait3A_74] : memref<320000xi32, #tpu.memory_space<hbm>> -> memref<8000xi32, #tpu.memory_space<hbm>>
      tpu.wait_dma2 semaphore(%arg13 : memref<!tpu.dma_semaphore, #tpu.memory_space<semaphore_mem>>) src(%dma_wait3A_75 : memref<8000xi32, #tpu.memory_space<hbm>>) dst(%arg9 : memref<8000xi32, #tpu.memory_space<vmem>>)
      %parallel_loop3A_76 = arith.constant 0 : i32
      %parallel_loop3A_77 = arith.constant 500 : i32
      %parallel_loop3A_78 = arith.constant 1 : i32
      scf.for %parallel_loop3A_90 = %parallel_loop3A_76 to %parallel_loop3A_77 step %parallel_loop3A_78  : i32 {
        %parallel_loop3A_91 = arith.constant 16 : i32
        %parallel_loop3A_92 = arith.muli %parallel_loop3A_90, %parallel_loop3A_91 : i32
        %parallel_loop3A_93 = arith.index_cast %parallel_loop3A_92 : i32 to index
        %parallel_loop3A_94 = tpu.vector_load %arg8[%parallel_loop3A_93] {strides = array<i32>} : memref<8000xi32, #tpu.memory_space<vmem>>, vector<16xi32>,
        %parallel_loop3A_95 = arith.constant 16 : i32
        %parallel_loop3A_96 = arith.muli %parallel_loop3A_90, %parallel_loop3A_95 : i32
        %parallel_loop3A_97 = arith.index_cast %parallel_loop3A_96 : i32 to index
        %parallel_loop3A_98 = tpu.vector_load %arg9[%parallel_loop3A_97] {strides = array<i32>} : memref<8000xi32, #tpu.memory_space<vmem>>, vector<16xi32>,
        %parallel_loop3A_99 = arith.constant 0 : i32
        %parallel_loop3A_100 = vector.broadcast %parallel_loop3A_99 : i32 to vector<16xi32>
        %parallel_loop3A_101 = arith.addi %parallel_loop3A_94, %parallel_loop3A_100 : vector<16xi32>
        %parallel_loop3A_102 = tpu.vector_load_idx %arg10[%parallel_loop3A_101] : memref<40448xf32, #tpu.memory_space<vmem>>[vector<16xi32>], vector<16xf32>,
        %parallel_loop3A_103 = arith.constant 0 : i32
        %parallel_loop3A_104 = vector.broadcast %parallel_loop3A_103 : i32 to vector<16xi32>
        %parallel_loop3A_105 = arith.addi %parallel_loop3A_98, %parallel_loop3A_104 : vector<16xi32>
        tpu.vector_store_idx %arg11[%parallel_loop3A_105], %parallel_loop3A_102 {add = true} : memref<40448xf32, #tpu.memory_space<vmem>>[vector<16xi32>], vector<16xf32>,
        %parallel_loop3A_106 = arith.constant 10112 : i32
        %parallel_loop3A_107 = vector.broadcast %parallel_loop3A_106 : i32 to vector<16xi32>
        %parallel_loop3A_108 = arith.addi %parallel_loop3A_94, %parallel_loop3A_107 : vector<16xi32>
        %parallel_loop3A_109 = tpu.vector_load_idx %arg10[%parallel_loop3A_108] : memref<40448xf32, #tpu.memory_space<vmem>>[vector<16xi32>], vector<16xf32>,
        %parallel_loop3A_110 = arith.constant 10112 : i32
        %parallel_loop3A_111 = vector.broadcast %parallel_loop3A_110 : i32 to vector<16xi32>
        %parallel_loop3A_112 = arith.addi %parallel_loop3A_98, %parallel_loop3A_111 : vector<16xi32>
        tpu.vector_store_idx %arg11[%parallel_loop3A_112], %parallel_loop3A_109 {add = true} : memref<40448xf32, #tpu.memory_space<vmem>>[vector<16xi32>], vector<16xf32>,
        %parallel_loop3A_113 = arith.constant 20224 : i32
        %parallel_loop3A_114 = vector.broadcast %parallel_loop3A_113 : i32 to vector<16xi32>
        %parallel_loop3A_115 = arith.addi %parallel_loop3A_94, %parallel_loop3A_114 : vector<16xi32>
        %parallel_loop3A_116 = tpu.vector_load_idx %arg10[%parallel_loop3A_115] : memref<40448xf32, #tpu.memory_space<vmem>>[vector<16xi32>], vector<16xf32>,
        %parallel_loop3A_117 = arith.constant 20224 : i32
        %parallel_loop3A_118 = vector.broadcast %parallel_loop3A_117 : i32 to vector<16xi32>
        %parallel_loop3A_119 = arith.addi %parallel_loop3A_98, %parallel_loop3A_118 : vector<16xi32>
        tpu.vector_store_idx %arg11[%parallel_loop3A_119], %parallel_loop3A_116 {add = true} : memref<40448xf32, #tpu.memory_space<vmem>>[vector<16xi32>], vector<16xf32>,
        %parallel_loop3A_120 = arith.constant 30336 : i32
        %parallel_loop3A_121 = vector.broadcast %parallel_loop3A_120 : i32 to vector<16xi32>
        %parallel_loop3A_122 = arith.addi %parallel_loop3A_94, %parallel_loop3A_121 : vector<16xi32>
        %parallel_loop3A_123 = tpu.vector_load_idx %arg10[%parallel_loop3A_122] : memref<40448xf32, #tpu.memory_space<vmem>>[vector<16xi32>], vector<16xf32>,
        %parallel_loop3A_124 = arith.constant 30336 : i32
        %parallel_loop3A_125 = vector.broadcast %parallel_loop3A_124 : i32 to vector<16xi32>
        %parallel_loop3A_126 = arith.addi %parallel_loop3A_98, %parallel_loop3A_125 : vector<16xi32>
        tpu.vector_store_idx %arg11[%parallel_loop3A_126], %parallel_loop3A_123 {add = true} : memref<40448xf32, #tpu.memory_space<vmem>>[vector<16xi32>], vector<16xf32>,
      } {sc.loop_unroll_factor = 4 : i64, sc.parallel_access}
      %add3A_79 = arith.constant 3 : i32
      %add3A_80 = arith.addi %mul3A_46, %add3A_79 : i32
      %mul3A_81 = arith.constant 8000 : i32
      %mul3A_82 = arith.muli %add3A_80, %mul3A_81 : i32
      %min3A_83 = arith.constant 312000 : i32
      %min3A_84 = arith.minsi %mul3A_82, %min3A_83 : i32
      %multiple_of3A_85 = tpu.assume_multiple %min3A_84, 8000 : i32
      %dma_start3A_86 = tpu.memref_slice %arg3[%multiple_of3A_85] : memref<320000xi32, #tpu.memory_space<hbm>> -> memref<8000xi32, #tpu.memory_space<hbm>>
      %dma_start3A_87 = tpu.memref_slice %arg3[%multiple_of3A_85] : memref<320000xi32, #tpu.memory_space<hbm>> -> memref<8000xi32, #tpu.memory_space<hbm>>
      tpu.enqueue_dma source(%dma_start3A_87 : memref<8000xi32, #tpu.memory_space<hbm>>) target(%arg8 : memref<8000xi32, #tpu.memory_space<vmem>>) target_semaphore(%arg13 : memref<!tpu.dma_semaphore, #tpu.memory_space<semaphore_mem>>)
      %dma_start3A_88 = tpu.memref_slice %arg4[%multiple_of3A_85] : memref<320000xi32, #tpu.memory_space<hbm>> -> memref<8000xi32, #tpu.memory_space<hbm>>
      %dma_start3A_89 = tpu.memref_slice %arg4[%multiple_of3A_85] : memref<320000xi32, #tpu.memory_space<hbm>> -> memref<8000xi32, #tpu.memory_space<hbm>>
      tpu.enqueue_dma source(%dma_start3A_89 : memref<8000xi32, #tpu.memory_space<hbm>>) target(%arg9 : memref<8000xi32, #tpu.memory_space<vmem>>) target_semaphore(%arg13 : memref<!tpu.dma_semaphore, #tpu.memory_space<semaphore_mem>>)
    }
    %scan3A_28 = arith.constant 20 : i32
    %dma_wait3A = arith.constant 0 : i32
    %dma_wait3A_29 = tpu.memref_slice %arg3[%dma_wait3A] : memref<320000xi32, #tpu.memory_space<hbm>> -> memref<8000xi32, #tpu.memory_space<hbm>>
    %dma_wait3A_30 = arith.constant 0 : i32
    %dma_wait3A_31 = tpu.memref_slice %arg3[%dma_wait3A_30] : memref<320000xi32, #tpu.memory_space<hbm>> -> memref<8000xi32, #tpu.memory_space<hbm>>
    tpu.wait_dma2 semaphore(%arg12 : memref<!tpu.dma_semaphore, #tpu.memory_space<semaphore_mem>>) src(%dma_wait3A_31 : memref<8000xi32, #tpu.memory_space<hbm>>) dst(%arg6 : memref<8000xi32, #tpu.memory_space<vmem>>)
    %dma_wait3A_32 = arith.constant 0 : i32
    %dma_wait3A_33 = tpu.memref_slice %arg4[%dma_wait3A_32] : memref<320000xi32, #tpu.memory_space<hbm>> -> memref<8000xi32, #tpu.memory_space<hbm>>
    %dma_wait3A_34 = arith.constant 0 : i32
    %dma_wait3A_35 = tpu.memref_slice %arg4[%dma_wait3A_34] : memref<320000xi32, #tpu.memory_space<hbm>> -> memref<8000xi32, #tpu.memory_space<hbm>>
    tpu.wait_dma2 semaphore(%arg12 : memref<!tpu.dma_semaphore, #tpu.memory_space<semaphore_mem>>) src(%dma_wait3A_35 : memref<8000xi32, #tpu.memory_space<hbm>>) dst(%arg7 : memref<8000xi32, #tpu.memory_space<vmem>>)
    %dma_wait3A_36 = arith.constant 0 : i32
    %dma_wait3A_37 = tpu.memref_slice %arg3[%dma_wait3A_36] : memref<320000xi32, #tpu.memory_space<hbm>> -> memref<8000xi32, #tpu.memory_space<hbm>>
    %dma_wait3A_38 = arith.constant 0 : i32
    %dma_wait3A_39 = tpu.memref_slice %arg3[%dma_wait3A_38] : memref<320000xi32, #tpu.memory_space<hbm>> -> memref<8000xi32, #tpu.memory_space<hbm>>
    tpu.wait_dma2 semaphore(%arg13 : memref<!tpu.dma_semaphore, #tpu.memory_space<semaphore_mem>>) src(%dma_wait3A_39 : memref<8000xi32, #tpu.memory_space<hbm>>) dst(%arg8 : memref<8000xi32, #tpu.memory_space<vmem>>)
    %dma_wait3A_40 = arith.constant 0 : i32
    %dma_wait3A_41 = tpu.memref_slice %arg4[%dma_wait3A_40] : memref<320000xi32, #tpu.memory_space<hbm>> -> memref<8000xi32, #tpu.memory_space<hbm>>
    %dma_wait3A_42 = arith.constant 0 : i32
    %dma_wait3A_43 = tpu.memref_slice %arg4[%dma_wait3A_42] : memref<320000xi32, #tpu.memory_space<hbm>> -> memref<8000xi32, #tpu.memory_space<hbm>>
    tpu.wait_dma2 semaphore(%arg13 : memref<!tpu.dma_semaphore, #tpu.memory_space<semaphore_mem>>) src(%dma_wait3A_43 : memref<8000xi32, #tpu.memory_space<hbm>>) dst(%arg9 : memref<8000xi32, #tpu.memory_space<vmem>>)
    "tpu.region"() ({
      %run_scoped3A = tpu.sem_alloc : memref<!tpu.dma_semaphore, #tpu.memory_space<semaphore_mem>>
      %dma_start3A_44 = arith.constant 0 : i32
      %dma_start3A_45 = tpu.memref_slice %arg11[%dma_start3A_44] : memref<40448xf32, #tpu.memory_space<vmem>> -> memref<40448xf32, #tpu.memory_space<vmem>>
      %dma_start3A_46 = tpu.memref_slice %arg5[%multiple_of3A] : memref<1294336xf32, #tpu.memory_space<hbm>> -> memref<40448xf32, #tpu.memory_space<hbm>>
      %dma_start3A_47 = tpu.memref_slice %arg5[%multiple_of3A] : memref<1294336xf32, #tpu.memory_space<hbm>> -> memref<40448xf32, #tpu.memory_space<hbm>>
      %dma_start3A_48 = arith.constant 0 : i32
      %dma_start3A_49 = tpu.memref_slice %arg11[%dma_start3A_48] : memref<40448xf32, #tpu.memory_space<vmem>> -> memref<40448xf32, #tpu.memory_space<vmem>>
      tpu.enqueue_dma source(%dma_start3A_49 : memref<40448xf32, #tpu.memory_space<vmem>>) target(%dma_start3A_47 : memref<40448xf32, #tpu.memory_space<hbm>>) target_semaphore(%run_scoped3A : memref<!tpu.dma_semaphore, #tpu.memory_space<semaphore_mem>>)
      %dma_wait3A_50 = arith.constant 0 : i32
      %dma_wait3A_51 = tpu.memref_slice %arg11[%dma_wait3A_50] : memref<40448xf32, #tpu.memory_space<vmem>> -> memref<40448xf32, #tpu.memory_space<vmem>>
      %dma_wait3A_52 = tpu.memref_slice %arg5[%multiple_of3A] : memref<1294336xf32, #tpu.memory_space<hbm>> -> memref<40448xf32, #tpu.memory_space<hbm>>
      %dma_wait3A_53 = tpu.memref_slice %arg5[%multiple_of3A] : memref<1294336xf32, #tpu.memory_space<hbm>> -> memref<40448xf32, #tpu.memory_space<hbm>>
      %dma_wait3A_54 = arith.constant 0 : i32
      %dma_wait3A_55 = tpu.memref_slice %arg11[%dma_wait3A_54] : memref<40448xf32, #tpu.memory_space<vmem>> -> memref<40448xf32, #tpu.memory_space<vmem>>
      tpu.wait_dma2 semaphore(%run_scoped3A : memref<!tpu.dma_semaphore, #tpu.memory_space<semaphore_mem>>) src(%dma_wait3A_55 : memref<40448xf32, #tpu.memory_space<vmem>>) dst(%dma_wait3A_53 : memref<40448xf32, #tpu.memory_space<hbm>>)
      tpu.yield
    }) : () -> ()
    return
  }
}

#map = affine_map<(d0, d1) -> (0)>
module attributes {stable_mosaic.version = 14 : i64} {
  func.func @body(%arg0: i32, %arg1: i32, %arg2: memref<1294336xf32, #tpu.memory_space<hbm>>, %arg3: memref<320000xi32, #tpu.memory_space<hbm>>, %arg4: memref<320000xi32, #tpu.memory_space<hbm>>, %arg5: memref<1294336xf32, #tpu.memory_space<hbm>>, %arg6: memref<10112xf32, #tpu.memory_space<hbm>>, %arg7: memref<8000xi32, #tpu.memory_space<vmem>>, %arg8: memref<8000xi32, #tpu.memory_space<vmem>>, %arg9: memref<8000xi32, #tpu.memory_space<vmem>>, %arg10: memref<8000xi32, #tpu.memory_space<vmem>>, %arg11: memref<40448xf32, #tpu.memory_space<vmem>>, %arg12: memref<50560xf32, #tpu.memory_space<vmem>>, %arg13: memref<!tpu.dma_semaphore, #tpu.memory_space<semaphore_mem>>, %arg14: memref<!tpu.dma_semaphore, #tpu.memory_space<semaphore_mem>>) attributes {dimension_semantics = [#tpu.dimension_semantics<core_parallel>, #tpu.dimension_semantics<subcore_parallel>], iteration_bounds = array<i64: 2, 16>, scalar_prefetch = 0 : i64, scratch_operands = 8 : i64, tpu.core_type = #tpu.core_type<sc_vector_subcore>, window_params = [{transform_indices = #map}, {transform_indices = #map}, {transform_indices = #map}, {transform_indices = #map}, {transform_indices = #map}]} {
    %mul3A = arith.constant 16 : i32
    %mul3A_0 = arith.muli %arg0, %mul3A : i32
    %add3A = arith.addi %mul3A_0, %arg1 : i32
    %mul3A_1 = arith.constant 40448 : i32
    %mul3A_2 = arith.muli %add3A, %mul3A_1 : i32
    %multiple_of3A = tpu.assume_multiple %mul3A_2, 40448 : i32
    "tpu.region"() ({
      %run_scoped3A = tpu.sem_alloc : memref<!tpu.dma_semaphore, #tpu.memory_space<semaphore_mem>>
      %dma_start3A_46 = tpu.memref_slice %arg2[%multiple_of3A] : memref<1294336xf32, #tpu.memory_space<hbm>> -> memref<40448xf32, #tpu.memory_space<hbm>>
      %dma_start3A_47 = tpu.memref_slice %arg2[%multiple_of3A] : memref<1294336xf32, #tpu.memory_space<hbm>> -> memref<40448xf32, #tpu.memory_space<hbm>>
      tpu.enqueue_dma source(%dma_start3A_47 : memref<40448xf32, #tpu.memory_space<hbm>>) target(%arg11 : memref<40448xf32, #tpu.memory_space<vmem>>) target_semaphore(%run_scoped3A : memref<!tpu.dma_semaphore, #tpu.memory_space<semaphore_mem>>)
      %dma_wait3A_48 = tpu.memref_slice %arg2[%multiple_of3A] : memref<1294336xf32, #tpu.memory_space<hbm>> -> memref<40448xf32, #tpu.memory_space<hbm>>
      %dma_wait3A_49 = tpu.memref_slice %arg2[%multiple_of3A] : memref<1294336xf32, #tpu.memory_space<hbm>> -> memref<40448xf32, #tpu.memory_space<hbm>>
      tpu.wait_dma2 semaphore(%run_scoped3A : memref<!tpu.dma_semaphore, #tpu.memory_space<semaphore_mem>>) src(%dma_wait3A_49 : memref<40448xf32, #tpu.memory_space<hbm>>) dst(%arg11 : memref<40448xf32, #tpu.memory_space<vmem>>)
      tpu.yield
    }) : () -> ()
    %scan3A = arith.constant 0 : i32
    %scan3A_3 = arith.constant 0 : i32
    %scan3A_4 = arith.constant 3160 : i32
    %scan3A_5 = arith.addi %scan3A_3, %scan3A_4 : i32
    %scan3A_6 = arith.constant 1 : i32
    scf.for %scan3A_46 = %scan3A_3 to %scan3A_5 step %scan3A_6  : i32 {
      %broadcast_in_dim3A_47 = arith.constant 0.000000e+00 : f32
      %broadcast_in_dim3A_48 = vector.broadcast %broadcast_in_dim3A_47 : f32 to vector<16xf32>
      %mul3A_49 = arith.constant 16 : i32
      %mul3A_50 = arith.muli %scan3A_46, %mul3A_49 : i32
      %swap3A = arith.index_cast %mul3A_50 : i32 to index
      %swap3A_51 = tpu.vector_load %arg12[%swap3A] {strides = array<i32>} : memref<50560xf32, #tpu.memory_space<vmem>>, vector<16xf32>,
      tpu.vector_store %arg12[%swap3A], %broadcast_in_dim3A_48 {strides = array<i32>} : memref<50560xf32, #tpu.memory_space<vmem>>, vector<16xf32>,
    }
    %scan3A_7 = arith.constant 3160 : i32
    %broadcast_in_dim3A = arith.constant 1.000000e+00 : f32
    %broadcast_in_dim3A_8 = vector.broadcast %broadcast_in_dim3A : f32 to vector<16xf32>
    %min3A = arith.constant 0 : i32
    %min3A_9 = arith.constant 312000 : i32
    %min3A_10 = arith.minsi %min3A, %min3A_9 : i32
    %multiple_of3A_11 = tpu.assume_multiple %min3A_10, 8000 : i32
    %dma_start3A = tpu.memref_slice %arg3[%multiple_of3A_11] : memref<320000xi32, #tpu.memory_space<hbm>> -> memref<8000xi32, #tpu.memory_space<hbm>>
    %dma_start3A_12 = tpu.memref_slice %arg3[%multiple_of3A_11] : memref<320000xi32, #tpu.memory_space<hbm>> -> memref<8000xi32, #tpu.memory_space<hbm>>
    tpu.enqueue_dma source(%dma_start3A_12 : memref<8000xi32, #tpu.memory_space<hbm>>) target(%arg7 : memref<8000xi32, #tpu.memory_space<vmem>>) target_semaphore(%arg13 : memref<!tpu.dma_semaphore, #tpu.memory_space<semaphore_mem>>)
    %dma_start3A_13 = tpu.memref_slice %arg4[%multiple_of3A_11] : memref<320000xi32, #tpu.memory_space<hbm>> -> memref<8000xi32, #tpu.memory_space<hbm>>
    %dma_start3A_14 = tpu.memref_slice %arg4[%multiple_of3A_11] : memref<320000xi32, #tpu.memory_space<hbm>> -> memref<8000xi32, #tpu.memory_space<hbm>>
    tpu.enqueue_dma source(%dma_start3A_14 : memref<8000xi32, #tpu.memory_space<hbm>>) target(%arg8 : memref<8000xi32, #tpu.memory_space<vmem>>) target_semaphore(%arg13 : memref<!tpu.dma_semaphore, #tpu.memory_space<semaphore_mem>>)
    %min3A_15 = arith.constant 8000 : i32
    %min3A_16 = arith.constant 312000 : i32
    %min3A_17 = arith.minsi %min3A_15, %min3A_16 : i32
    %multiple_of3A_18 = tpu.assume_multiple %min3A_17, 8000 : i32
    %dma_start3A_19 = tpu.memref_slice %arg3[%multiple_of3A_18] : memref<320000xi32, #tpu.memory_space<hbm>> -> memref<8000xi32, #tpu.memory_space<hbm>>
    %dma_start3A_20 = tpu.memref_slice %arg3[%multiple_of3A_18] : memref<320000xi32, #tpu.memory_space<hbm>> -> memref<8000xi32, #tpu.memory_space<hbm>>
    tpu.enqueue_dma source(%dma_start3A_20 : memref<8000xi32, #tpu.memory_space<hbm>>) target(%arg9 : memref<8000xi32, #tpu.memory_space<vmem>>) target_semaphore(%arg14 : memref<!tpu.dma_semaphore, #tpu.memory_space<semaphore_mem>>)
    %dma_start3A_21 = tpu.memref_slice %arg4[%multiple_of3A_18] : memref<320000xi32, #tpu.memory_space<hbm>> -> memref<8000xi32, #tpu.memory_space<hbm>>
    %dma_start3A_22 = tpu.memref_slice %arg4[%multiple_of3A_18] : memref<320000xi32, #tpu.memory_space<hbm>> -> memref<8000xi32, #tpu.memory_space<hbm>>
    tpu.enqueue_dma source(%dma_start3A_22 : memref<8000xi32, #tpu.memory_space<hbm>>) target(%arg10 : memref<8000xi32, #tpu.memory_space<vmem>>) target_semaphore(%arg14 : memref<!tpu.dma_semaphore, #tpu.memory_space<semaphore_mem>>)
    %scan3A_23 = arith.constant 0 : i32
    %scan3A_24 = arith.constant 0 : i32
    %scan3A_25 = arith.constant 20 : i32
    %scan3A_26 = arith.addi %scan3A_24, %scan3A_25 : i32
    %scan3A_27 = arith.constant 1 : i32
    scf.for %scan3A_46 = %scan3A_24 to %scan3A_26 step %scan3A_27  : i32 {
      %mul3A_47 = arith.constant 2 : i32
      %mul3A_48 = arith.muli %scan3A_46, %mul3A_47 : i32
      %dma_wait3A_49 = arith.constant 0 : i32
      %dma_wait3A_50 = tpu.memref_slice %arg3[%dma_wait3A_49] : memref<320000xi32, #tpu.memory_space<hbm>> -> memref<8000xi32, #tpu.memory_space<hbm>>
      %dma_wait3A_51 = arith.constant 0 : i32
      %dma_wait3A_52 = tpu.memref_slice %arg3[%dma_wait3A_51] : memref<320000xi32, #tpu.memory_space<hbm>> -> memref<8000xi32, #tpu.memory_space<hbm>>
      tpu.wait_dma2 semaphore(%arg13 : memref<!tpu.dma_semaphore, #tpu.memory_space<semaphore_mem>>) src(%dma_wait3A_52 : memref<8000xi32, #tpu.memory_space<hbm>>) dst(%arg7 : memref<8000xi32, #tpu.memory_space<vmem>>)
      %dma_wait3A_53 = arith.constant 0 : i32
      %dma_wait3A_54 = tpu.memref_slice %arg4[%dma_wait3A_53] : memref<320000xi32, #tpu.memory_space<hbm>> -> memref<8000xi32, #tpu.memory_space<hbm>>
      %dma_wait3A_55 = arith.constant 0 : i32
      %dma_wait3A_56 = tpu.memref_slice %arg4[%dma_wait3A_55] : memref<320000xi32, #tpu.memory_space<hbm>> -> memref<8000xi32, #tpu.memory_space<hbm>>
      tpu.wait_dma2 semaphore(%arg13 : memref<!tpu.dma_semaphore, #tpu.memory_space<semaphore_mem>>) src(%dma_wait3A_56 : memref<8000xi32, #tpu.memory_space<hbm>>) dst(%arg8 : memref<8000xi32, #tpu.memory_space<vmem>>)
      %parallel_loop3A = arith.constant 0 : i32
      %parallel_loop3A_57 = arith.constant 500 : i32
      %parallel_loop3A_58 = arith.constant 1 : i32
      scf.for %parallel_loop3A_92 = %parallel_loop3A to %parallel_loop3A_57 step %parallel_loop3A_58  : i32 {
        %parallel_loop3A_93 = arith.constant 16 : i32
        %parallel_loop3A_94 = arith.muli %parallel_loop3A_92, %parallel_loop3A_93 : i32
        %parallel_loop3A_95 = arith.index_cast %parallel_loop3A_94 : i32 to index
        %parallel_loop3A_96 = tpu.vector_load %arg7[%parallel_loop3A_95] {strides = array<i32>} : memref<8000xi32, #tpu.memory_space<vmem>>, vector<16xi32>,
        %parallel_loop3A_97 = arith.constant 16 : i32
        %parallel_loop3A_98 = arith.muli %parallel_loop3A_92, %parallel_loop3A_97 : i32
        %parallel_loop3A_99 = arith.index_cast %parallel_loop3A_98 : i32 to index
        %parallel_loop3A_100 = tpu.vector_load %arg8[%parallel_loop3A_99] {strides = array<i32>} : memref<8000xi32, #tpu.memory_space<vmem>>, vector<16xi32>,
        %parallel_loop3A_101 = arith.constant 0 : i32
        %parallel_loop3A_102 = vector.broadcast %parallel_loop3A_101 : i32 to vector<16xi32>
        %parallel_loop3A_103 = arith.addi %parallel_loop3A_96, %parallel_loop3A_102 : vector<16xi32>
        %parallel_loop3A_104 = tpu.vector_load_idx %arg11[%parallel_loop3A_103] : memref<40448xf32, #tpu.memory_space<vmem>>[vector<16xi32>], vector<16xf32>,
        %parallel_loop3A_105 = arith.constant 0 : i32
        %parallel_loop3A_106 = vector.broadcast %parallel_loop3A_105 : i32 to vector<16xi32>
        %parallel_loop3A_107 = arith.addi %parallel_loop3A_100, %parallel_loop3A_106 : vector<16xi32>
        tpu.vector_store_idx %arg12[%parallel_loop3A_107], %parallel_loop3A_104 {add = true} : memref<50560xf32, #tpu.memory_space<vmem>>[vector<16xi32>], vector<16xf32>,
        %parallel_loop3A_108 = arith.constant 10112 : i32
        %parallel_loop3A_109 = vector.broadcast %parallel_loop3A_108 : i32 to vector<16xi32>
        %parallel_loop3A_110 = arith.addi %parallel_loop3A_96, %parallel_loop3A_109 : vector<16xi32>
        %parallel_loop3A_111 = tpu.vector_load_idx %arg11[%parallel_loop3A_110] : memref<40448xf32, #tpu.memory_space<vmem>>[vector<16xi32>], vector<16xf32>,
        %parallel_loop3A_112 = arith.constant 10112 : i32
        %parallel_loop3A_113 = vector.broadcast %parallel_loop3A_112 : i32 to vector<16xi32>
        %parallel_loop3A_114 = arith.addi %parallel_loop3A_100, %parallel_loop3A_113 : vector<16xi32>
        tpu.vector_store_idx %arg12[%parallel_loop3A_114], %parallel_loop3A_111 {add = true} : memref<50560xf32, #tpu.memory_space<vmem>>[vector<16xi32>], vector<16xf32>,
        %parallel_loop3A_115 = arith.constant 20224 : i32
        %parallel_loop3A_116 = vector.broadcast %parallel_loop3A_115 : i32 to vector<16xi32>
        %parallel_loop3A_117 = arith.addi %parallel_loop3A_96, %parallel_loop3A_116 : vector<16xi32>
        %parallel_loop3A_118 = tpu.vector_load_idx %arg11[%parallel_loop3A_117] : memref<40448xf32, #tpu.memory_space<vmem>>[vector<16xi32>], vector<16xf32>,
        %parallel_loop3A_119 = arith.constant 20224 : i32
        %parallel_loop3A_120 = vector.broadcast %parallel_loop3A_119 : i32 to vector<16xi32>
        %parallel_loop3A_121 = arith.addi %parallel_loop3A_100, %parallel_loop3A_120 : vector<16xi32>
        tpu.vector_store_idx %arg12[%parallel_loop3A_121], %parallel_loop3A_118 {add = true} : memref<50560xf32, #tpu.memory_space<vmem>>[vector<16xi32>], vector<16xf32>,
        %parallel_loop3A_122 = arith.constant 30336 : i32
        %parallel_loop3A_123 = vector.broadcast %parallel_loop3A_122 : i32 to vector<16xi32>
        %parallel_loop3A_124 = arith.addi %parallel_loop3A_96, %parallel_loop3A_123 : vector<16xi32>
        %parallel_loop3A_125 = tpu.vector_load_idx %arg11[%parallel_loop3A_124] : memref<40448xf32, #tpu.memory_space<vmem>>[vector<16xi32>], vector<16xf32>,
        %parallel_loop3A_126 = arith.constant 30336 : i32
        %parallel_loop3A_127 = vector.broadcast %parallel_loop3A_126 : i32 to vector<16xi32>
        %parallel_loop3A_128 = arith.addi %parallel_loop3A_100, %parallel_loop3A_127 : vector<16xi32>
        tpu.vector_store_idx %arg12[%parallel_loop3A_128], %parallel_loop3A_125 {add = true} : memref<50560xf32, #tpu.memory_space<vmem>>[vector<16xi32>], vector<16xf32>,
        %parallel_loop3A_129 = arith.constant 40448 : i32
        %parallel_loop3A_130 = vector.broadcast %parallel_loop3A_129 : i32 to vector<16xi32>
        %parallel_loop3A_131 = arith.addi %parallel_loop3A_100, %parallel_loop3A_130 : vector<16xi32>
        tpu.vector_store_idx %arg12[%parallel_loop3A_131], %broadcast_in_dim3A_8 {add = true} : memref<50560xf32, #tpu.memory_space<vmem>>[vector<16xi32>], vector<16xf32>,
      } {sc.loop_unroll_factor = 4 : i64, sc.parallel_access}
      %add3A_59 = arith.constant 2 : i32
      %add3A_60 = arith.addi %mul3A_48, %add3A_59 : i32
      %mul3A_61 = arith.constant 8000 : i32
      %mul3A_62 = arith.muli %add3A_60, %mul3A_61 : i32
      %min3A_63 = arith.constant 312000 : i32
      %min3A_64 = arith.minsi %mul3A_62, %min3A_63 : i32
      %multiple_of3A_65 = tpu.assume_multiple %min3A_64, 8000 : i32
      %dma_start3A_66 = tpu.memref_slice %arg3[%multiple_of3A_65] : memref<320000xi32, #tpu.memory_space<hbm>> -> memref<8000xi32, #tpu.memory_space<hbm>>
      %dma_start3A_67 = tpu.memref_slice %arg3[%multiple_of3A_65] : memref<320000xi32, #tpu.memory_space<hbm>> -> memref<8000xi32, #tpu.memory_space<hbm>>
      tpu.enqueue_dma source(%dma_start3A_67 : memref<8000xi32, #tpu.memory_space<hbm>>) target(%arg7 : memref<8000xi32, #tpu.memory_space<vmem>>) target_semaphore(%arg13 : memref<!tpu.dma_semaphore, #tpu.memory_space<semaphore_mem>>)
      %dma_start3A_68 = tpu.memref_slice %arg4[%multiple_of3A_65] : memref<320000xi32, #tpu.memory_space<hbm>> -> memref<8000xi32, #tpu.memory_space<hbm>>
      %dma_start3A_69 = tpu.memref_slice %arg4[%multiple_of3A_65] : memref<320000xi32, #tpu.memory_space<hbm>> -> memref<8000xi32, #tpu.memory_space<hbm>>
      tpu.enqueue_dma source(%dma_start3A_69 : memref<8000xi32, #tpu.memory_space<hbm>>) target(%arg8 : memref<8000xi32, #tpu.memory_space<vmem>>) target_semaphore(%arg13 : memref<!tpu.dma_semaphore, #tpu.memory_space<semaphore_mem>>)
      %dma_wait3A_70 = arith.constant 0 : i32
      %dma_wait3A_71 = tpu.memref_slice %arg3[%dma_wait3A_70] : memref<320000xi32, #tpu.memory_space<hbm>> -> memref<8000xi32, #tpu.memory_space<hbm>>
      %dma_wait3A_72 = arith.constant 0 : i32
      %dma_wait3A_73 = tpu.memref_slice %arg3[%dma_wait3A_72] : memref<320000xi32, #tpu.memory_space<hbm>> -> memref<8000xi32, #tpu.memory_space<hbm>>
      tpu.wait_dma2 semaphore(%arg14 : memref<!tpu.dma_semaphore, #tpu.memory_space<semaphore_mem>>) src(%dma_wait3A_73 : memref<8000xi32, #tpu.memory_space<hbm>>) dst(%arg9 : memref<8000xi32, #tpu.memory_space<vmem>>)
      %dma_wait3A_74 = arith.constant 0 : i32
      %dma_wait3A_75 = tpu.memref_slice %arg4[%dma_wait3A_74] : memref<320000xi32, #tpu.memory_space<hbm>> -> memref<8000xi32, #tpu.memory_space<hbm>>
      %dma_wait3A_76 = arith.constant 0 : i32
      %dma_wait3A_77 = tpu.memref_slice %arg4[%dma_wait3A_76] : memref<320000xi32, #tpu.memory_space<hbm>> -> memref<8000xi32, #tpu.memory_space<hbm>>
      tpu.wait_dma2 semaphore(%arg14 : memref<!tpu.dma_semaphore, #tpu.memory_space<semaphore_mem>>) src(%dma_wait3A_77 : memref<8000xi32, #tpu.memory_space<hbm>>) dst(%arg10 : memref<8000xi32, #tpu.memory_space<vmem>>)
      %parallel_loop3A_78 = arith.constant 0 : i32
      %parallel_loop3A_79 = arith.constant 500 : i32
      %parallel_loop3A_80 = arith.constant 1 : i32
      scf.for %parallel_loop3A_92 = %parallel_loop3A_78 to %parallel_loop3A_79 step %parallel_loop3A_80  : i32 {
        %parallel_loop3A_93 = arith.constant 16 : i32
        %parallel_loop3A_94 = arith.muli %parallel_loop3A_92, %parallel_loop3A_93 : i32
        %parallel_loop3A_95 = arith.index_cast %parallel_loop3A_94 : i32 to index
        %parallel_loop3A_96 = tpu.vector_load %arg9[%parallel_loop3A_95] {strides = array<i32>} : memref<8000xi32, #tpu.memory_space<vmem>>, vector<16xi32>,
        %parallel_loop3A_97 = arith.constant 16 : i32
        %parallel_loop3A_98 = arith.muli %parallel_loop3A_92, %parallel_loop3A_97 : i32
        %parallel_loop3A_99 = arith.index_cast %parallel_loop3A_98 : i32 to index
        %parallel_loop3A_100 = tpu.vector_load %arg10[%parallel_loop3A_99] {strides = array<i32>} : memref<8000xi32, #tpu.memory_space<vmem>>, vector<16xi32>,
        %parallel_loop3A_101 = arith.constant 0 : i32
        %parallel_loop3A_102 = vector.broadcast %parallel_loop3A_101 : i32 to vector<16xi32>
        %parallel_loop3A_103 = arith.addi %parallel_loop3A_96, %parallel_loop3A_102 : vector<16xi32>
        %parallel_loop3A_104 = tpu.vector_load_idx %arg11[%parallel_loop3A_103] : memref<40448xf32, #tpu.memory_space<vmem>>[vector<16xi32>], vector<16xf32>,
        %parallel_loop3A_105 = arith.constant 0 : i32
        %parallel_loop3A_106 = vector.broadcast %parallel_loop3A_105 : i32 to vector<16xi32>
        %parallel_loop3A_107 = arith.addi %parallel_loop3A_100, %parallel_loop3A_106 : vector<16xi32>
        tpu.vector_store_idx %arg12[%parallel_loop3A_107], %parallel_loop3A_104 {add = true} : memref<50560xf32, #tpu.memory_space<vmem>>[vector<16xi32>], vector<16xf32>,
        %parallel_loop3A_108 = arith.constant 10112 : i32
        %parallel_loop3A_109 = vector.broadcast %parallel_loop3A_108 : i32 to vector<16xi32>
        %parallel_loop3A_110 = arith.addi %parallel_loop3A_96, %parallel_loop3A_109 : vector<16xi32>
        %parallel_loop3A_111 = tpu.vector_load_idx %arg11[%parallel_loop3A_110] : memref<40448xf32, #tpu.memory_space<vmem>>[vector<16xi32>], vector<16xf32>,
        %parallel_loop3A_112 = arith.constant 10112 : i32
        %parallel_loop3A_113 = vector.broadcast %parallel_loop3A_112 : i32 to vector<16xi32>
        %parallel_loop3A_114 = arith.addi %parallel_loop3A_100, %parallel_loop3A_113 : vector<16xi32>
        tpu.vector_store_idx %arg12[%parallel_loop3A_114], %parallel_loop3A_111 {add = true} : memref<50560xf32, #tpu.memory_space<vmem>>[vector<16xi32>], vector<16xf32>,
        %parallel_loop3A_115 = arith.constant 20224 : i32
        %parallel_loop3A_116 = vector.broadcast %parallel_loop3A_115 : i32 to vector<16xi32>
        %parallel_loop3A_117 = arith.addi %parallel_loop3A_96, %parallel_loop3A_116 : vector<16xi32>
        %parallel_loop3A_118 = tpu.vector_load_idx %arg11[%parallel_loop3A_117] : memref<40448xf32, #tpu.memory_space<vmem>>[vector<16xi32>], vector<16xf32>,
        %parallel_loop3A_119 = arith.constant 20224 : i32
        %parallel_loop3A_120 = vector.broadcast %parallel_loop3A_119 : i32 to vector<16xi32>
        %parallel_loop3A_121 = arith.addi %parallel_loop3A_100, %parallel_loop3A_120 : vector<16xi32>
        tpu.vector_store_idx %arg12[%parallel_loop3A_121], %parallel_loop3A_118 {add = true} : memref<50560xf32, #tpu.memory_space<vmem>>[vector<16xi32>], vector<16xf32>,
        %parallel_loop3A_122 = arith.constant 30336 : i32
        %parallel_loop3A_123 = vector.broadcast %parallel_loop3A_122 : i32 to vector<16xi32>
        %parallel_loop3A_124 = arith.addi %parallel_loop3A_96, %parallel_loop3A_123 : vector<16xi32>
        %parallel_loop3A_125 = tpu.vector_load_idx %arg11[%parallel_loop3A_124] : memref<40448xf32, #tpu.memory_space<vmem>>[vector<16xi32>], vector<16xf32>,
        %parallel_loop3A_126 = arith.constant 30336 : i32
        %parallel_loop3A_127 = vector.broadcast %parallel_loop3A_126 : i32 to vector<16xi32>
        %parallel_loop3A_128 = arith.addi %parallel_loop3A_100, %parallel_loop3A_127 : vector<16xi32>
        tpu.vector_store_idx %arg12[%parallel_loop3A_128], %parallel_loop3A_125 {add = true} : memref<50560xf32, #tpu.memory_space<vmem>>[vector<16xi32>], vector<16xf32>,
        %parallel_loop3A_129 = arith.constant 40448 : i32
        %parallel_loop3A_130 = vector.broadcast %parallel_loop3A_129 : i32 to vector<16xi32>
        %parallel_loop3A_131 = arith.addi %parallel_loop3A_100, %parallel_loop3A_130 : vector<16xi32>
        tpu.vector_store_idx %arg12[%parallel_loop3A_131], %broadcast_in_dim3A_8 {add = true} : memref<50560xf32, #tpu.memory_space<vmem>>[vector<16xi32>], vector<16xf32>,
      } {sc.loop_unroll_factor = 4 : i64, sc.parallel_access}
      %add3A_81 = arith.constant 3 : i32
      %add3A_82 = arith.addi %mul3A_48, %add3A_81 : i32
      %mul3A_83 = arith.constant 8000 : i32
      %mul3A_84 = arith.muli %add3A_82, %mul3A_83 : i32
      %min3A_85 = arith.constant 312000 : i32
      %min3A_86 = arith.minsi %mul3A_84, %min3A_85 : i32
      %multiple_of3A_87 = tpu.assume_multiple %min3A_86, 8000 : i32
      %dma_start3A_88 = tpu.memref_slice %arg3[%multiple_of3A_87] : memref<320000xi32, #tpu.memory_space<hbm>> -> memref<8000xi32, #tpu.memory_space<hbm>>
      %dma_start3A_89 = tpu.memref_slice %arg3[%multiple_of3A_87] : memref<320000xi32, #tpu.memory_space<hbm>> -> memref<8000xi32, #tpu.memory_space<hbm>>
      tpu.enqueue_dma source(%dma_start3A_89 : memref<8000xi32, #tpu.memory_space<hbm>>) target(%arg9 : memref<8000xi32, #tpu.memory_space<vmem>>) target_semaphore(%arg14 : memref<!tpu.dma_semaphore, #tpu.memory_space<semaphore_mem>>)
      %dma_start3A_90 = tpu.memref_slice %arg4[%multiple_of3A_87] : memref<320000xi32, #tpu.memory_space<hbm>> -> memref<8000xi32, #tpu.memory_space<hbm>>
      %dma_start3A_91 = tpu.memref_slice %arg4[%multiple_of3A_87] : memref<320000xi32, #tpu.memory_space<hbm>> -> memref<8000xi32, #tpu.memory_space<hbm>>
      tpu.enqueue_dma source(%dma_start3A_91 : memref<8000xi32, #tpu.memory_space<hbm>>) target(%arg10 : memref<8000xi32, #tpu.memory_space<vmem>>) target_semaphore(%arg14 : memref<!tpu.dma_semaphore, #tpu.memory_space<semaphore_mem>>)
    }
    %scan3A_28 = arith.constant 20 : i32
    %dma_wait3A = arith.constant 0 : i32
    %dma_wait3A_29 = tpu.memref_slice %arg3[%dma_wait3A] : memref<320000xi32, #tpu.memory_space<hbm>> -> memref<8000xi32, #tpu.memory_space<hbm>>
    %dma_wait3A_30 = arith.constant 0 : i32
    %dma_wait3A_31 = tpu.memref_slice %arg3[%dma_wait3A_30] : memref<320000xi32, #tpu.memory_space<hbm>> -> memref<8000xi32, #tpu.memory_space<hbm>>
    tpu.wait_dma2 semaphore(%arg13 : memref<!tpu.dma_semaphore, #tpu.memory_space<semaphore_mem>>) src(%dma_wait3A_31 : memref<8000xi32, #tpu.memory_space<hbm>>) dst(%arg7 : memref<8000xi32, #tpu.memory_space<vmem>>)
    %dma_wait3A_32 = arith.constant 0 : i32
    %dma_wait3A_33 = tpu.memref_slice %arg4[%dma_wait3A_32] : memref<320000xi32, #tpu.memory_space<hbm>> -> memref<8000xi32, #tpu.memory_space<hbm>>
    %dma_wait3A_34 = arith.constant 0 : i32
    %dma_wait3A_35 = tpu.memref_slice %arg4[%dma_wait3A_34] : memref<320000xi32, #tpu.memory_space<hbm>> -> memref<8000xi32, #tpu.memory_space<hbm>>
    tpu.wait_dma2 semaphore(%arg13 : memref<!tpu.dma_semaphore, #tpu.memory_space<semaphore_mem>>) src(%dma_wait3A_35 : memref<8000xi32, #tpu.memory_space<hbm>>) dst(%arg8 : memref<8000xi32, #tpu.memory_space<vmem>>)
    %dma_wait3A_36 = arith.constant 0 : i32
    %dma_wait3A_37 = tpu.memref_slice %arg3[%dma_wait3A_36] : memref<320000xi32, #tpu.memory_space<hbm>> -> memref<8000xi32, #tpu.memory_space<hbm>>
    %dma_wait3A_38 = arith.constant 0 : i32
    %dma_wait3A_39 = tpu.memref_slice %arg3[%dma_wait3A_38] : memref<320000xi32, #tpu.memory_space<hbm>> -> memref<8000xi32, #tpu.memory_space<hbm>>
    tpu.wait_dma2 semaphore(%arg14 : memref<!tpu.dma_semaphore, #tpu.memory_space<semaphore_mem>>) src(%dma_wait3A_39 : memref<8000xi32, #tpu.memory_space<hbm>>) dst(%arg9 : memref<8000xi32, #tpu.memory_space<vmem>>)
    %dma_wait3A_40 = arith.constant 0 : i32
    %dma_wait3A_41 = tpu.memref_slice %arg4[%dma_wait3A_40] : memref<320000xi32, #tpu.memory_space<hbm>> -> memref<8000xi32, #tpu.memory_space<hbm>>
    %dma_wait3A_42 = arith.constant 0 : i32
    %dma_wait3A_43 = tpu.memref_slice %arg4[%dma_wait3A_42] : memref<320000xi32, #tpu.memory_space<hbm>> -> memref<8000xi32, #tpu.memory_space<hbm>>
    tpu.wait_dma2 semaphore(%arg14 : memref<!tpu.dma_semaphore, #tpu.memory_space<semaphore_mem>>) src(%dma_wait3A_43 : memref<8000xi32, #tpu.memory_space<hbm>>) dst(%arg10 : memref<8000xi32, #tpu.memory_space<vmem>>)
    "tpu.region"() ({
      %run_scoped3A = tpu.sem_alloc : memref<!tpu.dma_semaphore, #tpu.memory_space<semaphore_mem>>
      %dma_start3A_46 = arith.constant 0 : i32
      %dma_start3A_47 = tpu.memref_slice %arg12[%dma_start3A_46] : memref<50560xf32, #tpu.memory_space<vmem>> -> memref<40448xf32, #tpu.memory_space<vmem>>
      %dma_start3A_48 = tpu.memref_slice %arg5[%multiple_of3A] : memref<1294336xf32, #tpu.memory_space<hbm>> -> memref<40448xf32, #tpu.memory_space<hbm>>
      %dma_start3A_49 = tpu.memref_slice %arg5[%multiple_of3A] : memref<1294336xf32, #tpu.memory_space<hbm>> -> memref<40448xf32, #tpu.memory_space<hbm>>
      %dma_start3A_50 = arith.constant 0 : i32
      %dma_start3A_51 = tpu.memref_slice %arg12[%dma_start3A_50] : memref<50560xf32, #tpu.memory_space<vmem>> -> memref<40448xf32, #tpu.memory_space<vmem>>
      tpu.enqueue_dma source(%dma_start3A_51 : memref<40448xf32, #tpu.memory_space<vmem>>) target(%dma_start3A_49 : memref<40448xf32, #tpu.memory_space<hbm>>) target_semaphore(%run_scoped3A : memref<!tpu.dma_semaphore, #tpu.memory_space<semaphore_mem>>)
      %dma_wait3A_52 = arith.constant 0 : i32
      %dma_wait3A_53 = tpu.memref_slice %arg12[%dma_wait3A_52] : memref<50560xf32, #tpu.memory_space<vmem>> -> memref<40448xf32, #tpu.memory_space<vmem>>
      %dma_wait3A_54 = tpu.memref_slice %arg5[%multiple_of3A] : memref<1294336xf32, #tpu.memory_space<hbm>> -> memref<40448xf32, #tpu.memory_space<hbm>>
      %dma_wait3A_55 = tpu.memref_slice %arg5[%multiple_of3A] : memref<1294336xf32, #tpu.memory_space<hbm>> -> memref<40448xf32, #tpu.memory_space<hbm>>
      %dma_wait3A_56 = arith.constant 0 : i32
      %dma_wait3A_57 = tpu.memref_slice %arg12[%dma_wait3A_56] : memref<50560xf32, #tpu.memory_space<vmem>> -> memref<40448xf32, #tpu.memory_space<vmem>>
      tpu.wait_dma2 semaphore(%run_scoped3A : memref<!tpu.dma_semaphore, #tpu.memory_space<semaphore_mem>>) src(%dma_wait3A_57 : memref<40448xf32, #tpu.memory_space<vmem>>) dst(%dma_wait3A_55 : memref<40448xf32, #tpu.memory_space<hbm>>)
      tpu.yield
    }) : () -> ()
    %eq3A = arith.constant 0 : i32
    %eq3A_44 = arith.cmpi eq, %add3A, %eq3A : i32
    %convert_element_type3A = arith.extui %eq3A_44 : i1 to i32
    %cond3A = arith.constant 0 : i32
    %cond3A_45 = arith.cmpi ne, %convert_element_type3A, %cond3A : i32
    scf.if %cond3A_45 {
      "tpu.region"() ({
        %run_scoped3A = tpu.sem_alloc : memref<!tpu.dma_semaphore, #tpu.memory_space<semaphore_mem>>
        %dma_start3A_46 = arith.constant 40448 : i32
        %dma_start3A_47 = tpu.memref_slice %arg12[%dma_start3A_46] : memref<50560xf32, #tpu.memory_space<vmem>> -> memref<10112xf32, #tpu.memory_space<vmem>>
        %dma_start3A_48 = arith.constant 40448 : i32
        %dma_start3A_49 = tpu.memref_slice %arg12[%dma_start3A_48] : memref<50560xf32, #tpu.memory_space<vmem>> -> memref<10112xf32, #tpu.memory_space<vmem>>
        tpu.enqueue_dma source(%dma_start3A_49 : memref<10112xf32, #tpu.memory_space<vmem>>) target(%arg6 : memref<10112xf32, #tpu.memory_space<hbm>>) target_semaphore(%run_scoped3A : memref<!tpu.dma_semaphore, #tpu.memory_space<semaphore_mem>>)
        %dma_wait3A_50 = arith.constant 40448 : i32
        %dma_wait3A_51 = tpu.memref_slice %arg12[%dma_wait3A_50] : memref<50560xf32, #tpu.memory_space<vmem>> -> memref<10112xf32, #tpu.memory_space<vmem>>
        %dma_wait3A_52 = arith.constant 40448 : i32
        %dma_wait3A_53 = tpu.memref_slice %arg12[%dma_wait3A_52] : memref<50560xf32, #tpu.memory_space<vmem>> -> memref<10112xf32, #tpu.memory_space<vmem>>
        tpu.wait_dma2 semaphore(%run_scoped3A : memref<!tpu.dma_semaphore, #tpu.memory_space<semaphore_mem>>) src(%dma_wait3A_53 : memref<10112xf32, #tpu.memory_space<vmem>>) dst(%arg6 : memref<10112xf32, #tpu.memory_space<hbm>>)
        tpu.yield
      }) : () -> ()
    } else {
    }
    return
  }
}

module attributes {stable_mosaic.version = 14 : i64} {
  func.func @body(%arg0: memref<10000x128xf32, #tpu.memory_space<vmem>>, %arg1: memref<128x10112xf32, #tpu.memory_space<vmem>>) attributes {dimension_semantics = [], scalar_prefetch = 0 : i64, scratch_operands = 0 : i64, tpu.core_type = #tpu.core_type<tc>} {
    %get3A = arith.constant 0 : index
    %get3A_0 = arith.constant 0 : index
    %get3A_1 = vector.load %arg0[%get3A, %get3A_0] : memref<10000x128xf32, #tpu.memory_space<vmem>>, vector<10000x128xf32>
    %transpose3A = tpu.transpose %get3A_1, [1, 0] : vector<10000x128xf32> -> vector<128x10000xf32>
    %broadcast_in_dim3A = arith.constant 0.000000e+00 : f32
    %broadcast_in_dim3A_2 = vector.broadcast %broadcast_in_dim3A : f32 to vector<128x112xf32>
    %concatenate3A = tpu.concatenate %transpose3A, %broadcast_in_dim3A_2 in 1 : vector<128x10000xf32>, vector<128x112xf32> -> vector<128x10112xf32>
    %swap3A = arith.constant 0 : index
    %swap3A_3 = arith.constant 0 : index
    %swap3A_4 = vector.load %arg1[%swap3A, %swap3A_3] : memref<128x10112xf32, #tpu.memory_space<vmem>>, vector<128x10112xf32>
    tpu.vector_store %arg1[%swap3A, %swap3A_3], %concatenate3A {strides = array<i32>} : memref<128x10112xf32, #tpu.memory_space<vmem>>, vector<128x10112xf32>,
    return
  }
}

module attributes {stable_mosaic.version = 14 : i64} {
  func.func @body(%arg0: memref<128x10112xf32, #tpu.memory_space<vmem>>, %arg1: memref<1x10112xf32, #tpu.memory_space<vmem>>, %arg2: memref<10000x128xf32, #tpu.memory_space<vmem>>, %arg3: memref<128x128xf32, #tpu.memory_space<vmem>>, %arg4: memref<128x128xf32, #tpu.memory_space<vmem>>, %arg5: memref<1x128xf32, #tpu.memory_space<vmem>>, %arg6: memref<10000x128xf32, #tpu.memory_space<vmem>>, %arg7: memref<128x10112xf32, #tpu.memory_space<vmem>>) attributes {dimension_semantics = [], scalar_prefetch = 0 : i64, scratch_operands = 0 : i64, tpu.core_type = #tpu.core_type<tc>} {
    %get3A = arith.constant 0 : index
    %get3A_0 = arith.constant 0 : index
    %get3A_1 = vector.load %arg1[%get3A, %get3A_0] : memref<1x10112xf32, #tpu.memory_space<vmem>>, vector<1x10000xf32>
    %max3A = arith.constant 1.000000e+00 : f32
    %max3A_2 = vector.broadcast %max3A : f32 to vector<1x10000xf32>
    %max3A_3 = arith.maximumf %get3A_1, %max3A_2 : vector<1x10000xf32>
    %div3A = arith.constant 1.000000e+00 : f32
    %div3A_4 = vector.broadcast %div3A : f32 to vector<1x10000xf32>
    %div3A_5 = arith.divf %div3A_4, %max3A_3 : vector<1x10000xf32>
    %get3A_6 = arith.constant 0 : index
    %get3A_7 = arith.constant 0 : index
    %get3A_8 = vector.load %arg0[%get3A_6, %get3A_7] : memref<128x10112xf32, #tpu.memory_space<vmem>>, vector<128x10000xf32>
    %mul3A = vector.broadcast %div3A_5 : vector<1x10000xf32> to vector<128x10000xf32>
    %mul3A_9 = arith.mulf %get3A_8, %mul3A : vector<128x10000xf32>
    %get3A_10 = arith.constant 0 : index
    %get3A_11 = arith.constant 0 : index
    %get3A_12 = vector.load %arg3[%get3A_10, %get3A_11] : memref<128x128xf32, #tpu.memory_space<vmem>>, vector<128x128xf32>
    %dot_general3A = arith.constant dense<0.000000e+00> : vector<10000x128xf32>
    %dot_general3A_13 = tpu.matmul %mul3A_9, %get3A_12, %dot_general3A {dimension_numbers = #tpu.dot_dimension_numbers<[0], [0], [1], [1], [0, 1, 1, 1], [], []>, transpose_lhs_hint = false} : vector<128x10000xf32>, vector<128x128xf32>, vector<10000x128xf32> -> vector<10000x128xf32>
    %get3A_14 = arith.constant 0 : index
    %get3A_15 = arith.constant 0 : index
    %get3A_16 = vector.load %arg2[%get3A_14, %get3A_15] : memref<10000x128xf32, #tpu.memory_space<vmem>>, vector<10000x128xf32>
    %get3A_17 = arith.constant 0 : index
    %get3A_18 = arith.constant 0 : index
    %get3A_19 = vector.load %arg4[%get3A_17, %get3A_18] : memref<128x128xf32, #tpu.memory_space<vmem>>, vector<128x128xf32>
    %dot_general3A_20 = arith.constant dense<0.000000e+00> : vector<10000x128xf32>
    %dot_general3A_21 = tpu.matmul %get3A_16, %get3A_19, %dot_general3A_20 {dimension_numbers = #tpu.dot_dimension_numbers<[1], [0], [0], [1], [0, 0, 1, 1], [], []>, transpose_lhs_hint = false} : vector<10000x128xf32>, vector<128x128xf32>, vector<10000x128xf32> -> vector<10000x128xf32>
    %add3A = arith.addf %dot_general3A_13, %dot_general3A_21 : vector<10000x128xf32>
    %get3A_22 = arith.constant 0 : index
    %get3A_23 = arith.constant 0 : index
    %get3A_24 = vector.load %arg5[%get3A_22, %get3A_23] : memref<1x128xf32, #tpu.memory_space<vmem>>, vector<1x128xf32>
    %add3A_25 = vector.broadcast %get3A_24 : vector<1x128xf32> to vector<10000x128xf32>
    %add3A_26 = arith.addf %add3A, %add3A_25 : vector<10000x128xf32>
    %max3A_27 = arith.constant 0.000000e+00 : f32
    %max3A_28 = vector.broadcast %max3A_27 : f32 to vector<10000x128xf32>
    %max3A_29 = arith.maximumf %add3A_26, %max3A_28 : vector<10000x128xf32>
    %swap3A = arith.constant 0 : index
    %swap3A_30 = arith.constant 0 : index
    %swap3A_31 = vector.load %arg6[%swap3A, %swap3A_30] : memref<10000x128xf32, #tpu.memory_space<vmem>>, vector<10000x128xf32>
    tpu.vector_store %arg6[%swap3A, %swap3A_30], %max3A_29 {strides = array<i32>} : memref<10000x128xf32, #tpu.memory_space<vmem>>, vector<10000x128xf32>,
    %transpose3A = tpu.transpose %max3A_29, [1, 0] : vector<10000x128xf32> -> vector<128x10000xf32>
    %broadcast_in_dim3A = arith.constant 0.000000e+00 : f32
    %broadcast_in_dim3A_32 = vector.broadcast %broadcast_in_dim3A : f32 to vector<128x112xf32>
    %concatenate3A = tpu.concatenate %transpose3A, %broadcast_in_dim3A_32 in 1 : vector<128x10000xf32>, vector<128x112xf32> -> vector<128x10112xf32>
    %swap3A_33 = arith.constant 0 : index
    %swap3A_34 = arith.constant 0 : index
    %swap3A_35 = vector.load %arg7[%swap3A_33, %swap3A_34] : memref<128x10112xf32, #tpu.memory_space<vmem>>, vector<128x10112xf32>
    tpu.vector_store %arg7[%swap3A_33, %swap3A_34], %concatenate3A {strides = array<i32>} : memref<128x10112xf32, #tpu.memory_space<vmem>>, vector<128x10112xf32>,
    return
  }
}

module attributes {stable_mosaic.version = 14 : i64} {
  func.func @body(%arg0: memref<128x10112xf32, #tpu.memory_space<vmem>>, %arg1: memref<1x10112xf32, #tpu.memory_space<vmem>>, %arg2: memref<10000x128xf32, #tpu.memory_space<vmem>>, %arg3: memref<128x128xf32, #tpu.memory_space<vmem>>, %arg4: memref<128x128xf32, #tpu.memory_space<vmem>>, %arg5: memref<1x128xf32, #tpu.memory_space<vmem>>, %arg6: memref<10000x1xi32, #tpu.memory_space<vmem>>, %arg7: memref<128x40xf32, #tpu.memory_space<vmem>>, %arg8: memref<1x40xf32, #tpu.memory_space<vmem>>, %arg9: memref<128x40xf32, #tpu.memory_space<vmem>>) attributes {dimension_semantics = [], scalar_prefetch = 0 : i64, scratch_operands = 0 : i64, tpu.core_type = #tpu.core_type<tc>} {
    %get3A = arith.constant 0 : index
    %get3A_0 = arith.constant 0 : index
    %get3A_1 = vector.load %arg1[%get3A, %get3A_0] : memref<1x10112xf32, #tpu.memory_space<vmem>>, vector<1x10000xf32>
    %max3A = arith.constant 1.000000e+00 : f32
    %max3A_2 = vector.broadcast %max3A : f32 to vector<1x10000xf32>
    %max3A_3 = arith.maximumf %get3A_1, %max3A_2 : vector<1x10000xf32>
    %div3A = arith.constant 1.000000e+00 : f32
    %div3A_4 = vector.broadcast %div3A : f32 to vector<1x10000xf32>
    %div3A_5 = arith.divf %div3A_4, %max3A_3 : vector<1x10000xf32>
    %get3A_6 = arith.constant 0 : index
    %get3A_7 = arith.constant 0 : index
    %get3A_8 = vector.load %arg0[%get3A_6, %get3A_7] : memref<128x10112xf32, #tpu.memory_space<vmem>>, vector<128x10000xf32>
    %mul3A = vector.broadcast %div3A_5 : vector<1x10000xf32> to vector<128x10000xf32>
    %mul3A_9 = arith.mulf %get3A_8, %mul3A : vector<128x10000xf32>
    %get3A_10 = arith.constant 0 : index
    %get3A_11 = arith.constant 0 : index
    %get3A_12 = vector.load %arg3[%get3A_10, %get3A_11] : memref<128x128xf32, #tpu.memory_space<vmem>>, vector<128x128xf32>
    %dot_general3A = arith.constant dense<0.000000e+00> : vector<10000x128xf32>
    %dot_general3A_13 = tpu.matmul %mul3A_9, %get3A_12, %dot_general3A {dimension_numbers = #tpu.dot_dimension_numbers<[0], [0], [1], [1], [0, 1, 1, 1], [], []>, transpose_lhs_hint = false} : vector<128x10000xf32>, vector<128x128xf32>, vector<10000x128xf32> -> vector<10000x128xf32>
    %get3A_14 = arith.constant 0 : index
    %get3A_15 = arith.constant 0 : index
    %get3A_16 = vector.load %arg2[%get3A_14, %get3A_15] : memref<10000x128xf32, #tpu.memory_space<vmem>>, vector<10000x128xf32>
    %get3A_17 = arith.constant 0 : index
    %get3A_18 = arith.constant 0 : index
    %get3A_19 = vector.load %arg4[%get3A_17, %get3A_18] : memref<128x128xf32, #tpu.memory_space<vmem>>, vector<128x128xf32>
    %dot_general3A_20 = arith.constant dense<0.000000e+00> : vector<10000x128xf32>
    %dot_general3A_21 = tpu.matmul %get3A_16, %get3A_19, %dot_general3A_20 {dimension_numbers = #tpu.dot_dimension_numbers<[1], [0], [0], [1], [0, 0, 1, 1], [], []>, transpose_lhs_hint = false} : vector<10000x128xf32>, vector<128x128xf32>, vector<10000x128xf32> -> vector<10000x128xf32>
    %add3A = arith.addf %dot_general3A_13, %dot_general3A_21 : vector<10000x128xf32>
    %get3A_22 = arith.constant 0 : index
    %get3A_23 = arith.constant 0 : index
    %get3A_24 = vector.load %arg5[%get3A_22, %get3A_23] : memref<1x128xf32, #tpu.memory_space<vmem>>, vector<1x128xf32>
    %add3A_25 = vector.broadcast %get3A_24 : vector<1x128xf32> to vector<10000x128xf32>
    %add3A_26 = arith.addf %add3A, %add3A_25 : vector<10000x128xf32>
    %max3A_27 = arith.constant 0.000000e+00 : f32
    %max3A_28 = vector.broadcast %max3A_27 : f32 to vector<10000x128xf32>
    %max3A_29 = arith.maximumf %add3A_26, %max3A_28 : vector<10000x128xf32>
    %get3A_30 = arith.constant 0 : index
    %get3A_31 = arith.constant 0 : index
    %get3A_32 = vector.load %arg6[%get3A_30, %get3A_31] : memref<10000x1xi32, #tpu.memory_space<vmem>>, vector<10000x1xi32>
    %iota3A = tpu.iota {dimensions = array<i32: 1>} : vector<10000x128xi32>
    %eq3A = vector.broadcast %get3A_32 : vector<10000x1xi32> to vector<10000x128xi32>
    %eq3A_33 = arith.cmpi eq, %eq3A, %iota3A : vector<10000x128xi32>
    %convert_element_type3A = arith.extui %eq3A_33 : vector<10000x128xi1> to vector<10000x128xi32>
    %convert_element_type3A_34 = arith.sitofp %convert_element_type3A : vector<10000x128xi32> to vector<10000x128xf32>
    %dot_general3A_35 = arith.constant dense<0.000000e+00> : vector<128x128xf32>
    %dot_general3A_36 = tpu.matmul %convert_element_type3A_34, %max3A_29, %dot_general3A_35 {dimension_numbers = #tpu.dot_dimension_numbers<[0], [0], [1], [1], [0, 1, 1, 1], [], []>, transpose_lhs_hint = false} : vector<10000x128xf32>, vector<10000x128xf32>, vector<128x128xf32> -> vector<128x128xf32>
    %broadcast_in_dim3A = arith.constant 1.000000e+00 : f32
    %broadcast_in_dim3A_37 = vector.broadcast %broadcast_in_dim3A : f32 to vector<10000x1xf32>
    %dot_general3A_38 = arith.constant dense<0.000000e+00> : vector<128x1xf32>
    %dot_general3A_39 = tpu.matmul %convert_element_type3A_34, %broadcast_in_dim3A_37, %dot_general3A_38 {dimension_numbers = #tpu.dot_dimension_numbers<[0], [0], [1], [1], [0, 1, 1, 1], [], []>, transpose_lhs_hint = false} : vector<10000x128xf32>, vector<10000x1xf32>, vector<128x1xf32> -> vector<128x1xf32>
    %max3A_40 = arith.constant 1.000000e+00 : f32
    %max3A_41 = vector.broadcast %max3A_40 : f32 to vector<128x1xf32>
    %max3A_42 = arith.maximumf %dot_general3A_39, %max3A_41 : vector<128x1xf32>
    %div3A_43 = vector.broadcast %max3A_42 : vector<128x1xf32> to vector<128x128xf32>
    %div3A_44 = arith.divf %dot_general3A_36, %div3A_43 : vector<128x128xf32>
    %get3A_45 = arith.constant 0 : index
    %get3A_46 = arith.constant 0 : index
    %get3A_47 = vector.load %arg7[%get3A_45, %get3A_46] : memref<128x40xf32, #tpu.memory_space<vmem>>, vector<128x40xf32>
    %dot_general3A_48 = arith.constant dense<0.000000e+00> : vector<128x40xf32>
    %dot_general3A_49 = tpu.matmul %div3A_44, %get3A_47, %dot_general3A_48 {dimension_numbers = #tpu.dot_dimension_numbers<[1], [0], [0], [1], [0, 0, 1, 1], [], []>, transpose_lhs_hint = false} : vector<128x128xf32>, vector<128x40xf32>, vector<128x40xf32> -> vector<128x40xf32>
    %get3A_50 = arith.constant 0 : index
    %get3A_51 = arith.constant 0 : index
    %get3A_52 = vector.load %arg8[%get3A_50, %get3A_51] : memref<1x40xf32, #tpu.memory_space<vmem>>, vector<1x40xf32>
    %add3A_53 = vector.broadcast %get3A_52 : vector<1x40xf32> to vector<128x40xf32>
    %add3A_54 = arith.addf %dot_general3A_49, %add3A_53 : vector<128x40xf32>
    %swap3A = arith.constant 0 : index
    %swap3A_55 = arith.constant 0 : index
    %swap3A_56 = vector.load %arg9[%swap3A, %swap3A_55] : memref<128x40xf32, #tpu.memory_space<vmem>>, vector<128x40xf32>
    tpu.vector_store %arg9[%swap3A, %swap3A_55], %add3A_54 {strides = array<i32>} : memref<128x40xf32, #tpu.memory_space<vmem>>, vector<128x40xf32>,
    return
  }
}

</mosaic_0001>

<sc_bundles>
// kernel: kernel.10.cloned.1.call-start
scs
__scs_entry_jumppad:
0x0: {  	(pc) =	sbr.rel $0x88, $3  }
0x1: {  	(tag) =	ssettag $0x0;
	lr =	simm.s32 $0x1  }
0x2: {  	[smem:$0x3F96] =	sst lr;
	_ =	strace $0xD0000000  }
0x3: {  	_ = 	snop  }
0x4: {  	_ = 	snop  }
0x5: {  	_ = 	snop  }
0x6: {  	_ = 	snop  }
0x7: {  	_ = 	snop  }
__scs_overlays_trampoline_lowered:
0x8: {  	[smem:$0x3FA5] =	sst s0  }
0x9: {  	[smem:$0x3FA6] =	sst s1  }
0xa: {  	[smem:$0x3FA7] =	sst s2  }
0xb: {  	[smem:$0x3FA8] =	sst s3  }
0xc: {  	[smem:$0x3FA9] =	sst s4  }
0xd: {  	[smem:$0x3FAA] =	sst s5  }
0xe: {  	[smem:$0x3FAB] =	sst s6  }
0xf: {  	[smem:$0x3FAC] =	sst s7  }
0x10: {  	[smem:$0x3FAD] =	sst s8  }
0x11: {  	[smem:$0x3FAE] =	sst s9;
	s0 =	simm.s32 @!p0 $0x0  }
0x12: {  	s1 =	sld [smem:$0x3F94];
	s0 =	simm.s32 @p0 $0x1  }
0x13: {  	[smem:$0x3FAF] =	sst s0;
	s0 =	simm.s32 @!p1 $0x0  }
0x14: {  	s2 =	sld [smem:$0x3F93];
	s0 =	simm.s32 @p1 $0x1  }
0x15: {  	[smem:$0x3FB0] =	sst s0;
	s0 =	simm.s32 @!p2 $0x0  }
0x16: {  	s3 =	sld [smem:$0x3FDB];
	s0 =	simm.s32 @p2 $0x1  }
0x17: {  	s4 =	simm.s32 $0x1BF5;
	[smem:$0x3FB2] =	sst s0  }
0x18: {  	s0 =	sld [smem:$0x3F95];
	_ =	swait.ge [sflag:s4], $0x0  }
0x19: {  	s7 =	sld [smem:$0x3F96]  }
0x1a: {  	s8 =	sadd.s32 $0xFFFFE003, lr  }
0x1b: {  	s9 =	sadd.s32 $0xFFFFFEF7, lr;
	s5 =	simm.s32 $0xFFFFFFFF;
	p2 =	slt.u32 s8, $0xFFFFF086  }
0x1c: {  	p1 =	slt.u32 s9, $0xF7A;
	s5 =	simm.s32 @!p2 $0x0  }
0x1d: {  	s5 =	simm.s32 @p1 $0x1;
	p0 =	seq.s32 s7, s2  }
0x1e: {  	s7 =	smul.u32 @!p0 $0xF7A, s2;
	p2 =	seq.s32 @!p0 s5, $0x0  }
0x1f: {  	s9 =	smul.u32 $0xF7A, s1;
	s8 =	simm.s32 @!p0 $0x1BF5;
	p2 =	por !p2, p0  }
0x20: {  	[sflag:s8] =	ssyncset.s32 @!p0 $0xFFFFF086;
	s6 =	sadd.s32 @!p0 s3, s7;
	s7 =	simm.s32 @!p0 $0x108  }
0x21: {  	s3 =	sadd.s32 s3, s9;
	s6 =	sadd.s32 @!p0 $0x88, s6;
	s7 =	simm.s32 @p2 $0x1082  }
0x22: {  	[simem:s7], [sflag:s8] =	dma.local @!p0 [hbm:s6], $0xF7A  }
0x23: {  	s9 =	sor.u32 $0xD0000000, s2;
	s6 =	simm.s32 $0x108;
	_ =	swait.ge @!p0 [sflag:s8], $0x0  }
0x24: {  	s3 =	sadd.s32 $0x88, s3;
	s6 =	simm.s32 @!p1 $0x1082;
	[sflag:s4] =	ssyncset.s32 $0xFFFFF086  }
0x25: {  	[simem:s6], [sflag:s4] =	dma.local [hbm:s3], $0xF7A  }
0x26: {  	[smem:$0x3F96] =	sst s1;
	(tag) =	ssettag s2;
	_ =	strace s9  }
0x27: {  	s1 =	sld [smem:$0x3FA6]  }
0x28: {  	s2 =	sld [smem:$0x3FA7]  }
0x29: {  	s4 =	sld [smem:$0x3FA9]  }
0x2a: {  	p0 =	seq.s32 s5, $0x0;
	s5 =	sld [smem:$0x3FAA]  }
0x2b: {  	s6 =	sld [smem:$0x3FAB]  }
0x2c: {  	s7 =	sld [smem:$0x3FAC]  }
0x2d: {  	s3 =	simm.s32 $0x108;
	s8 =	sld [smem:$0x3FAD]  }
0x2e: {  	s3 =	simm.s32 @!p0 $0x1082;
	s9 =	sld [smem:$0x3FAE]  }
0x2f: {  	lr =	sadd.s32 s0, s3;
	s0 =	sld [smem:$0x3FA5]  }
0x30: {  	s3 =	sld [smem:$0x3FA8]  }
0x31: {  	[smem:$0x3FB1] =	sst s10  }
0x32: {  	s10 =	sld [smem:$0x3FAF];
	_ =	sdelay $0x3  }
0x33: {  	p0 =	seq.s32 s10, $0x1;
	s10 =	sld [smem:$0x3FB1];
	_ =	sdelay $0x3  }
0x34: {  	[smem:$0x3FB1] =	sst s10  }
0x35: {  	s10 =	sld [smem:$0x3FB0];
	_ =	sdelay $0x3  }
0x36: {  	p1 =	seq.s32 s10, $0x1;
	s10 =	sld [smem:$0x3FB1];
	_ =	sdelay $0x3  }
0x37: {  	[smem:$0x3FB1] =	sst s10  }
0x38: {  	s10 =	sld [smem:$0x3FB2]  }
0x39: {  	_ = 	snop;
	(pc) =	sbr.ind lr, $3  }
0x3a: {  	_ = 	snop  }
0x3b: {  	_ = 	snop  }
0x3c: {  	p2 =	seq.s32 s10, $0x1;
	s10 =	sld [smem:$0x3FB1]  }
0x3d: {  	_ =	shalt  }
0x3e: {  	_ =	shalt  }
0x3f: {  	_ =	shalt  }
0x40: {  	_ =	shalt  }
0x41: {  	_ =	shalt  }
0x42: {  	_ =	shalt  }
0x43: {  	_ =	shalt  }
0x44: {  	_ =	shalt  }
0x45: {  	_ =	shalt  }
0x46: {  	_ =	shalt  }
0x47: {  	_ =	shalt  }
0x48: {  	_ =	shalt  }
0x49: {  	_ =	shalt  }
0x4a: {  	_ =	shalt  }
0x4b: {  	_ =	shalt  }
0x4c: {  	_ =	shalt  }
0x4d: {  	_ =	shalt  }
0x4e: {  	_ =	shalt  }
0x4f: {  	_ =	shalt  }
0x50: {  	_ =	shalt  }
0x51: {  	_ =	shalt  }
0x52: {  	_ =	shalt  }
0x53: {  	_ =	shalt  }
0x54: {  	_ =	shalt  }
0x55: {  	_ =	shalt  }
0x56: {  	_ =	shalt  }
0x57: {  	_ =	shalt  }
0x58: {  	_ =	shalt  }
0x59: {  	_ =	shalt  }
0x5a: {  	_ =	shalt  }
0x5b: {  	_ =	shalt  }
0x5c: {  	_ =	shalt  }
0x5d: {  	_ =	shalt  }
0x5e: {  	_ =	shalt  }
0x5f: {  	_ =	shalt  }
0x60: {  	_ =	shalt  }
0x61: {  	_ =	shalt  }
0x62: {  	_ =	shalt  }
0x63: {  	_ =	shalt  }
0x64: {  	_ =	shalt  }
0x65: {  	_ =	shalt  }
0x66: {  	_ =	shalt  }
0x67: {  	_ =	shalt  }
0x68: {  	_ =	shalt  }
0x69: {  	_ =	shalt  }
0x6a: {  	_ =	shalt  }
0x6b: {  	_ =	shalt  }
0x6c: {  	_ =	shalt  }
0x6d: {  	_ =	shalt  }
0x6e: {  	_ =	shalt  }
0x6f: {  	_ =	shalt  }
0x70: {  	_ =	shalt  }
0x71: {  	_ =	shalt  }
0x72: {  	_ =	shalt  }
0x73: {  	_ =	shalt  }
0x74: {  	_ =	shalt  }
0x75: {  	_ =	shalt  }
0x76: {  	_ =	shalt  }
0x77: {  	_ =	shalt  }
0x78: {  	_ =	shalt  }
0x79: {  	_ =	shalt  }
0x7a: {  	_ =	shalt  }
0x7b: {  	_ =	shalt  }
0x7c: {  	_ =	shalt  }
0x7d: {  	_ =	shalt  }
0x7e: {  	_ =	shalt  }
0x7f: {  	_ =	shalt  }
0x80: {  	_ =	shalt  }
0x81: {  	_ =	shalt  }
0x82: {  	_ =	shalt  }
0x83: {  	_ =	shalt  }
0x84: {  	_ =	shalt  }
0x85: {  	_ =	shalt  }
0x86: {  	_ =	shalt  }
0x87: {  	_ =	shalt  }
.Lfunc_end0:
.L_simem_size_0:
called_computation.1_lowered:
.L_overlay_start_0:
0x88: {  	s2 =	sld [smem:$0x3FD9]  }
0x89: {  	s3 =	sld [smem:$0x3FFE];
	_ =	sdelay $0x1  }
0x8a: {  	s1 =	srdreg.scid  }
0x8b: {  	s0 =	sand.u32 $0x1, s1  }
0x8c: {  	s16 =	sshll.u32 s0, $0xA;
	s2 =	sadd.s32 s3, s2  }
0x8d: {  	s2 =	sadd.s32 s2, s16  }
0x8e: {  	[smem:$0x3FBD] =	sst s2  }
0x8f: {  	_ = 	snop  }
0x90: {  	(tm) =	ssettm $0x1  }
0x91: {  	s17 =	sld [smem:$0x3FFB];
	_ =	sdelay $0x3  }
0x92: {  	_ =	strace s17  }
0x93: {  	s2 =	sld [smem:$0x3FFC];
	_ =	sdelay $0x3  }
0x94: {  	_ =	strace s2  }
0x95: {  	s2 =	sld [smem:$0x3FFD];
	_ =	sdelay $0x3  }
0x96: {  	_ =	strace s2  }
0x97: {  	_ =	strace $0x8FFFFFFF  }
0x98: {  	s18 =	sld [smem:$0x3FDB];
	_ =	sdelay $0x1  }
0x99: {  	s19 =	simm.s32 $_scs_section_size  }
0x9a: {  	s4 =	simm.s32 $_size__tile_overlayer_lowered;
	s5 =	simm.s32 $_tile_overlayer_lowered  }
0x9b: {  	s22 =	simm.s32 $0x1BFF;
	s21 =	sshll.u32 s5, $0x1;
	s2 =	sadd.s32 s19, s18  }
0x9c: {  	s6 =	simm.s32 $0x0;
	s20 =	sshll.u32 s4, $0x1;
	s4 =	sadd.s32 s21, s2  }
0x9d: {  	[timem:s6], [sflag:s22] =	dma.local [hbm:s4], s20  }
0x9e: {  	_ =	swait.ge [sflag:s22], s20  }
0x9f: {  	s3 =	ssub.s32 $0x0, s20;
	[sflag:s22] =	ssyncset.done $0x0  }
0xa0: {  	[sflag:s22] =	ssyncadd.s32 s3;
	_ =	sdelay $0x1  }
0xa1: {  	s23 =	simm.s32 $0x1B8B  }
0xa2: {  	_ =	swait.ge [sflag:s23], $0x1  }
0xa3: {  	[sflag:s23] =	ssyncset.done $0x0  }
0xa4: {  	s25 =	simm.s32 $0x1B8E;
	s24 =	sld [smem:$0x3FFE];
	[sflag:s23] =	ssyncadd.s32 $0xFFFFFFFF  }
0xa5: {  	s26 =	simm.s32 $execute0_lowered;
	[smem:$0x3FD2] =	sst s25  }
0xa6: {  	s4 =	sshll.u32 s26, $0x1;
	_ =	strace $0x80000049;
	[dreg:$0x1] =	wrdreg $0xFFFFFFFF  }
0xa7: {  	s28 =	simm.s32 $_size_execute0_lowered;
	s2 =	sadd.s32 s2, s4;
	[dreg:$0x0] =	wrdreg $0x0  }
0xa8: {  	s4 =	sshll.u32 s28, $0x1;
	[dreg:$0x2] =	wrdreg s2  }
0xa9: {  	[dreg:$0x3] =	wrdreg s4  }
0xaa: {  	[dreg:$0x4] =	wrdreg $0xC0  }
0xab: {  	_ =	task [dreg:s6], $0x5FFFF  }
0xac: {  	[dreg:$0x1] =	wrdreg $0xFFFFFFFF  }
0xad: {  	[dreg:$0x0] =	wrdreg $0x60  }
0xae: {  	[dreg:$0x2] =	wrdreg s24  }
0xaf: {  	[dreg:$0x3] =	wrdreg $0x9  }
0xb0: {  	_ =	task.clear_ibuf [dreg:s6], $0x4FFFF;
	_ =	strace $0x90000049  }
0xb1: {  	s29 =	simm.s32 $0x9;
	_ =	strace $0x8000004B  }
0xb2: {  	_ =	swait.ge [sflag:s29], $0x1  }
0xb3: {  	[sflag:s29] =	ssyncadd.s32 $0xFFFFFFFF  }
0xb4: {  	_ =	strace $0x9000004B  }
0xb5: {  	_ =	sfence  }
0xb6: {  	s30 =	sld [smem:$0x0];
	_ =	sdelay $0x2  }
0xb7: {  	s31 =	sshll.u32 s1, $0xD;
	s1 =	sshrl.u32 s1, $0x2  }
0xb8: {  	s3 =	sand.u32 $0x4000, s31;
	s1 =	sadd.s32 s1, s30  }
0xb9: {  	s0 =	sor.u32 s3, s0;
	s1 =	sshll.u32 s1, $0x11  }
0xba: {  	s0 =	sor.u32 s1, s0  }
0xbb: {  	s0 =	sadd.s32 $0x8F2B, s0  }
0xbc: {  	[sflag:s0] =	ssyncadd.remote.s32 $0x1  }
0xbd: {  	_ =	sfence.sel $0xFFFF  }
0xbe: {  	[dreg:$0x0] =	wrdreg $0xFFFFFFFF;
	(pc) =	sbr.abs _section_cstart, $3  }
0xbf: {  	[dreg:$0x1] =	wrdreg $0xFFFFFFFF  }
0xc0: {  	_ =	task.clear_ibuf [dreg:s6], $0x2FFFF;
	_ =	strace $0x9FFFFFFF  }
0xc1: {  	(tm) =	ssettm $0x7FFFFFFF  }
tec
execute0_lowered:
.L_overlay_start_1:
0x0: {  	(tag) =	ssettag $0x1  }
0x1: {  	s0 =	srdreg.scid  }
0x2: {  	s7 =	rddreg [dreg:$0x0];
	s1 =	stileid.u32;
	s2 =	simm.s32 $0x0  }
0x3: {  	s10 =	simm.s32 $0x7E00;
	s11 =	simm.s32 $0x3;
	s12 =	simm.s32 $0x1F80  }
0x4: {  	s13 =	simm.s32 $0x3F00;
	s14 =	simm.s32 $0x5E80;
	s15 =	simm.s32 $0x1  }
0x5: {  	s16 =	simm.s32 $0x11C00;
	s17 =	simm.s32 $0x2;
	s4 =	sand.u32 $0x1, s0  }
0x6: {  	s18 =	simm.s32 $0x0;
	s0 =	rddreg [dreg:$0x1];
	s3 =	sshll.u32 s4, $0x4  }
0x7: {  	[smem:$0x7FF] =	sst s2;
	s6 =	ssub.s32 $0x2, s4;
	s3 =	sor.u32 s1, s3  }
0x8: {  	_ =	strace $0x8000004A;
	s31 =	sshrl.u32 s6, $0x1;
	s5 =	smul.u32 $0x13C0, s3  }
0x9: {  	s4 =	sadd.s32 $0x1A00, s7;
	s3 =	sadd.s32 $0xB800, s7;
	s9 =	ssub.s32 s6, s31  }
0xa: {  	s6 =	sadd.s32 $0xBBE8, s7;
	s9 =	smax.u32 s9, $0x1;
	s8 =	sadd.s32 s5, s7  }
0xb: {  	v0 =	vimm.f32 $0.0e+00;
	s7 =	sadd.s32 $0x1DE8, s7;
	s5 =	sadd.s32 $0x15600, s8;
	s8 =	sadd.s32 $0x3CE00, s8  }
.LBB2_1:
0xc: {  	[tilespmem:s10], [sflag:$0x3] =	stream.linear.gather [hbm4b:s5+s2], $0x9E00, $0x38;
	[tilespmem:$0x1BA00] =	vst v63  }
0xd: {  	_ =	swait.ge [sflag:s11], $0x9E00  }
0xe: {  	[sflag:s11] =	ssyncset.done $0x0  }
0xf: {  	s19 =	simm.s32 $0x40;
	s20 =	simm.s32 $0x0;
	[sflag:s11] =	ssyncadd.s32 $0xFFFF6200  }
.LBB2_2:
0x10: {  	p0 =	sne.s32 s19, $0x277C0;
	[tilespmem:s20+$0x11C00] =	vst v0;
	s20 =	smov.u32 s19;
	s19 =	sadd.s32 $0x40, s19  }
.Ltmp0:
0x11: {  	(pc) =	sbr.rel @p0 .LBB2_2-.Ltmp0, $2  }
0x12: {  	_ =	sdelay $0x2  }
0x13: {  	s20 =	sshra.s32 s20, $0x2  }
0x14: {  	[tilespmem:s20+$0x11C00] =	vst v0;
	s19 =	simm.s32 $0x0  }
0x15: {  	[tilespmem:s19], [sflag:$0x1] =	stream.linear.gather [hbm4b:s3+s19], $0x1F40, $0x38;
	[tilespmem:$0x1BA00] =	vst v63  }
0x16: {  	_ = 	snop  }
0x17: {  	[tilespmem:s12], [sflag:$0x1] =	stream.linear.gather [hbm4b:s4+s19], $0x1F40, $0x38;
	[tilespmem:$0x1BA00] =	vst v63  }
0x18: {  	_ = 	snop  }
0x19: {  	[tilespmem:s13], [sflag:$0x2] =	stream.linear.gather [hbm4b:s6+s19], $0x1F40, $0x38;
	[tilespmem:$0x1BA00] =	vst v63  }
0x1a: {  	_ = 	snop  }
0x1b: {  	[tilespmem:s14], [sflag:$0x2] =	stream.linear.gather [hbm4b:s7+s19], $0x1F40, $0x38;
	[tilespmem:$0x1BA00] =	vst v63  }
.LBB2_4:
0x1c: {  	_ =	swait.ge [sflag:s15], $0x1F40  }
0x1d: {  	[sflag:s15] =	ssyncset.done $0x0  }
0x1e: {  	[sflag:s15] =	ssyncadd.s32 $0xFFFFE0C0  }
0x1f: {  	_ =	swait.ge [sflag:s15], $0x1F40  }
0x20: {  	[sflag:s15] =	ssyncset.done $0x0  }
0x21: {  	s21 =	simm.s32 $0x20;
	[sflag:s15] =	ssyncadd.s32 $0xFFFFE0C0  }
0x22: {  	v1 =	vld [tilespmem:s21+$0x10]  }
0x23: {  	v3 =	vld [tilespmem:s21+$0xFFFFFFE0]  }
0x24: {  	v2 =	vld [tilespmem:s21+$0xFFFFFFF0];
	_ =	sdelay $0x1  }
0x25: {  	s20 =	simm.s32 $0x1FA0;
	v5 =	vld [tilespmem:s21+$0x0]  }
0x26: {  	v4 =	vld [tilespmem:s20+$0x10]  }
0x27: {  	v7 =	vld [tilespmem:s20+$0xFFFFFFE0]  }
0x28: {  	v10 =	vld [tilespmem:s20+$0xFFFFFFF0]  }
0x29: {  	v6 =	vld.idx.msk [tilespmem:v1+s10+$0x0], $0xffff  }
0x2a: {  	v11 =	vld.idx.msk [tilespmem:v3+s10+$0x0], $0xffff  }
0x2b: {  	v8 =	vld.idx.msk [tilespmem:v2+s10+$0x0], $0xffff  }
0x2c: {  	v13 =	vld [tilespmem:s20+$0x0];
	v9 =	vadd.s32 $0x2780, v1  }
0x2d: {  	v12 =	vadd.s32 $0x2780, v3;
	v14 =	vld.idx.msk [tilespmem:v5+s10+$0x0], $0xffff  }
0x2e: {  	v57 =	vadd.s32 $0x2780, v2;
	[tilespmem:v4+s16+$0x0] =	vst.idx.add.f32.msk $0xffff, v6  }
0x2f: {  	[tilespmem:v7+s16+$0x0] =	vst.idx.add.f32.msk $0xffff, v11  }
0x30: {  	v16 =	vadd.s32 $0x2780, v5;
	[tilespmem:v10+s16+$0x0] =	vst.idx.add.f32.msk $0xffff, v8  }
0x31: {  	v56 =	vadd.s32 $0x2780, v4;
	v6 =	vld.idx.msk [tilespmem:v9+s10+$0x0], $0xffff  }
0x32: {  	v8 =	vadd.s32 $0x2780, v7;
	v12 =	vld.idx.msk [tilespmem:v12+s10+$0x0], $0xffff  }
0x33: {  	v59 =	vadd.s32 $0x2780, v10;
	v11 =	vld.idx.msk [tilespmem:v57+s10+$0x0], $0xffff  }
0x34: {  	v15 =	vadd.s32 $0x4F00, v1;
	[tilespmem:v13+s16+$0x0] =	vst.idx.add.f32.msk $0xffff, v14  }
0x35: {  	v17 =	vadd.s32 $0x2780, v13;
	v16 =	vld.idx.msk [tilespmem:v16+s10+$0x0], $0xffff  }
0x36: {  	v60 =	vadd.s32 $0x4F00, v5;
	[tilespmem:v56+s16+$0x0] =	vst.idx.add.f32.msk $0xffff, v6  }
0x37: {  	v6 =	vadd.s32 $0x4F00, v3;
	[tilespmem:v8+s16+$0x0] =	vst.idx.add.f32.msk $0xffff, v12  }
0x38: {  	v8 =	vadd.s32 $0x4F00, v2;
	[tilespmem:v59+s16+$0x0] =	vst.idx.add.f32.msk $0xffff, v11  }
0x39: {  	v58 =	vadd.s32 $0x4F00, v4;
	v9 =	vld.idx.msk [tilespmem:v15+s10+$0x0], $0xffff  }
0x3a: {  	v1 =	vadd.s32 $0x7680, v1;
	[tilespmem:v17+s16+$0x0] =	vst.idx.add.f32.msk $0xffff, v16  }
0x3b: {  	v63 =	vadd.s32 $0x4F00, v13;
	v12 =	vld.idx.msk [tilespmem:v60+s10+$0x0], $0xffff  }
0x3c: {  	v61 =	vadd.s32 $0x4F00, v7;
	v6 =	vld.idx.msk [tilespmem:v6+s10+$0x0], $0xffff  }
0x3d: {  	v62 =	vadd.s32 $0x4F00, v10;
	v8 =	vld.idx.msk [tilespmem:v8+s10+$0x0], $0xffff  }
0x3e: {  	v3 =	vadd.s32 $0x7680, v3;
	[tilespmem:v58+s16+$0x0] =	vst.idx.add.f32.msk $0xffff, v9  }
0x3f: {  	v4 =	vadd.s32 $0x7680, v4;
	v1 =	vld.idx.msk [tilespmem:v1+s10+$0x0], $0xffff  }
0x40: {  	[tilespmem:v63+s16+$0x0] =	vst.idx.add.f32.msk $0xffff, v12  }
0x41: {  	[tilespmem:v61+s16+$0x0] =	vst.idx.add.f32.msk $0xffff, v6  }
0x42: {  	[tilespmem:v62+s16+$0x0] =	vst.idx.add.f32.msk $0xffff, v8  }
0x43: {  	v5 =	vadd.s32 $0x7680, v5;
	v6 =	vld.idx.msk [tilespmem:v3+s10+$0x0], $0xffff;
	v3 =	vadd.s32 $0x7680, v7  }
0x44: {  	s22 =	simm.s32 $0x60;
	s21 =	simm.s32 $0x0;
	[tilespmem:v4+s16+$0x0] =	vst.idx.add.f32.msk $0xffff, v1;
	v4 =	vadd.s32 $0x7680, v2;
	v2 =	vadd.s32 $0x7680, v10;
	v1 =	vadd.s32 $0x7680, v13  }
.LBB2_5:
0x45: {  	v7 =	vld [tilespmem:s22+$0x10];
	s21 =	sadd.s32 $0x4, s21  }
0x46: {  	v8 =	vld [tilespmem:s22+$0xFFFFFFF0];
	p0 =	slt.u32 s21, $0x1F0  }
0x47: {  	v9 =	vld [tilespmem:s22+$0x0]  }
0x48: {  	v10 =	vld [tilespmem:s22+$0xFFFFFFE0]  }
0x49: {  	v11 =	vld.idx.msk [tilespmem:v4+s10+$0x0], $0xffff  }
0x4a: {  	s20 =	sadd.s32 $0x40, s20;
	v12 =	vld.idx.msk [tilespmem:v5+s10+$0x0], $0xffff  }
0x4b: {  	v13 =	vadd.s32 $0x2780, v8;
	v14 =	vadd.s32 $0x4F00, v8;
	v4 =	vadd.s32 $0x7680, v8;
	v15 =	vld [tilespmem:s20+$0x10]  }
0x4c: {  	v16 =	vld [tilespmem:s20+$0xFFFFFFE0];
	v17 =	vadd.s32 $0x2780, v9;
	v18 =	vadd.s32 $0x4F00, v9;
	v5 =	vadd.s32 $0x7680, v9  }
0x4d: {  	v19 =	vadd.s32 $0x2780, v10;
	v20 =	vadd.s32 $0x4F00, v10;
	v21 =	vadd.s32 $0x7680, v10;
	v22 =	vld.idx.msk [tilespmem:v7+s10+$0x0], $0xffff  }
0x4e: {  	v8 =	vld.idx.msk [tilespmem:v8+s10+$0x0], $0xffff  }
0x4f: {  	v23 =	vadd.s32 $0x2780, v7;
	v9 =	vld.idx.msk [tilespmem:v9+s10+$0x0], $0xffff  }
0x50: {  	v10 =	vld.idx.msk [tilespmem:v10+s10+$0x0], $0xffff  }
0x51: {  	v24 =	vadd.s32 $0x2780, v16;
	v25 =	vadd.s32 $0x4F00, v16;
	v26 =	vadd.s32 $0x7680, v16;
	v27 =	vld [tilespmem:s20+$0xFFFFFFF0]  }
0x52: {  	v28 =	vld [tilespmem:s20+$0x0]  }
0x53: {  	[tilespmem:v15+s16+$0x0] =	vst.idx.add.f32.msk $0xffff, v22  }
0x54: {  	v22 =	vld.idx.msk [tilespmem:v23+s10+$0x0], $0xffff  }
0x55: {  	v23 =	vadd.s32 $0x2780, v15;
	[tilespmem:v3+s16+$0x0] =	vst.idx.add.f32.msk $0xffff, v6;
	v3 =	vmov v26  }
0x56: {  	[tilespmem:v16+s16+$0x0] =	vst.idx.add.f32.msk $0xffff, v10;
	v6 =	vadd.s32 $0x2780, v27;
	v10 =	vadd.s32 $0x4F00, v27;
	v16 =	vadd.s32 $0x4F00, v7  }
0x57: {  	v26 =	vadd.s32 $0x7680, v27;
	v19 =	vld.idx.msk [tilespmem:v19+s10+$0x0], $0xffff;
	v29 =	vadd.s32 $0x2780, v28;
	v30 =	vadd.s32 $0x4F00, v28  }
0x58: {  	v31 =	vadd.s32 $0x7680, v28;
	[tilespmem:v2+s16+$0x0] =	vst.idx.add.f32.msk $0xffff, v11;
	v2 =	vmov v26  }
0x59: {  	[tilespmem:v27+s16+$0x0] =	vst.idx.add.f32.msk $0xffff, v8  }
0x5a: {  	[tilespmem:v23+s16+$0x0] =	vst.idx.add.f32.msk $0xffff, v22  }
0x5b: {  	v8 =	vld.idx.msk [tilespmem:v16+s10+$0x0], $0xffff  }
0x5c: {  	[tilespmem:v28+s16+$0x0] =	vst.idx.add.f32.msk $0xffff, v9;
	v9 =	vadd.s32 $0x4F00, v15  }
0x5d: {  	v7 =	vadd.s32 $0x7680, v7;
	v11 =	vld.idx.msk [tilespmem:v13+s10+$0x0], $0xffff  }
0x5e: {  	v13 =	vld.idx.msk [tilespmem:v17+s10+$0x0], $0xffff  }
0x5f: {  	[tilespmem:v24+s16+$0x0] =	vst.idx.add.f32.msk $0xffff, v19  }
0x60: {  	v16 =	vld.idx.msk [tilespmem:v20+s10+$0x0], $0xffff  }
0x61: {  	[tilespmem:v9+s16+$0x0] =	vst.idx.add.f32.msk $0xffff, v8  }
0x62: {  	v7 =	vld.idx.msk [tilespmem:v7+s10+$0x0], $0xffff  }
0x63: {  	[tilespmem:v6+s16+$0x0] =	vst.idx.add.f32.msk $0xffff, v11;
	v6 =	vadd.s32 $0x7680, v15  }
0x64: {  	[tilespmem:v29+s16+$0x0] =	vst.idx.add.f32.msk $0xffff, v13  }
0x65: {  	v8 =	vld.idx.msk [tilespmem:v14+s10+$0x0], $0xffff  }
0x66: {  	v9 =	vld.idx.msk [tilespmem:v18+s10+$0x0], $0xffff  }
0x67: {  	[tilespmem:v25+s16+$0x0] =	vst.idx.add.f32.msk $0xffff, v16  }
.Ltmp1:
0x68: {  	[tilespmem:v6+s16+$0x0] =	vst.idx.add.f32.msk $0xffff, v7;
	(pc) =	sbr.rel @p0 .LBB2_5-.Ltmp1, $4  }
0x69: {  	v6 =	vld.idx.msk [tilespmem:v21+s10+$0x0], $0xffff  }
0x6a: {  	[tilespmem:v1+s16+$0x0] =	vst.idx.add.f32.msk $0xffff, v12;
	v1 =	vmov v31  }
0x6b: {  	[tilespmem:v10+s16+$0x0] =	vst.idx.add.f32.msk $0xffff, v8  }
0x6c: {  	s22 =	sadd.s32 $0x40, s22;
	[tilespmem:v30+s16+$0x0] =	vst.idx.add.f32.msk $0xffff, v9  }
0x6d: {  	_ =	sdelay $0x3  }
0x6e: {  	v4 =	vld.idx.msk [tilespmem:v4+s10+$0x0], $0xffff  }
0x6f: {  	v5 =	vld.idx.msk [tilespmem:v5+s10+$0x0], $0xffff;
	s20 =	smul.u32 $0x3E80, s19;
	_ =	sdelay $0x1  }
0x70: {  	s21 =	smin.u32 s20, $0x48440  }
0x71: {  	[tilespmem:v3+s16+$0x0] =	vst.idx.add.f32.msk $0xffff, v6;
	s21 =	sshrl.u32 s21, $0x3  }
0x72: {  	s21 =	sadd.s32 $0x7D0, s21;
	[tilespmem:v2+s16+$0x0] =	vst.idx.add.f32.msk $0xffff, v4  }
0x73: {  	[tilespmem:v1+s16+$0x0] =	vst.idx.add.f32.msk $0xffff, v5;
	s22 =	sadd.s32 s3, s21  }
0x74: {  	[tilespmem:s2], [sflag:$0x1] =	stream.linear.gather [hbm4b:s22+s2], $0x1F40, $0x38;
	[tilespmem:$0x1BA00] =	vst v63  }
0x75: {  	s21 =	sadd.s32 s4, s21  }
0x76: {  	[tilespmem:s12], [sflag:$0x1] =	stream.linear.gather [hbm4b:s21+s2], $0x1F40, $0x38;
	[tilespmem:$0x1BA00] =	vst v63  }
0x77: {  	_ =	swait.ge [sflag:s17], $0x1F40  }
0x78: {  	[sflag:s17] =	ssyncset.done $0x0  }
0x79: {  	[sflag:s17] =	ssyncadd.s32 $0xFFFFE0C0  }
0x7a: {  	_ =	swait.ge [sflag:s17], $0x1F40  }
0x7b: {  	[sflag:s17] =	ssyncset.done $0x0  }
0x7c: {  	s31 =	simm.s32 $0x3F20;
	[sflag:s17] =	ssyncadd.s32 $0xFFFFE0C0  }
0x7d: {  	v1 =	vld [tilespmem:s31+$0x10]  }
0x7e: {  	v3 =	vld [tilespmem:s31+$0xFFFFFFE0]  }
0x7f: {  	v2 =	vld [tilespmem:s31+$0xFFFFFFF0];
	_ =	sdelay $0x1  }
0x80: {  	s21 =	simm.s32 $0x5EA0;
	v5 =	vld [tilespmem:s31+$0x0]  }
0x81: {  	v4 =	vld [tilespmem:s21+$0x10]  }
0x82: {  	v7 =	vld [tilespmem:s21+$0xFFFFFFE0]  }
0x83: {  	v10 =	vld [tilespmem:s21+$0xFFFFFFF0]  }
0x84: {  	v6 =	vld.idx.msk [tilespmem:v1+s10+$0x0], $0xffff  }
0x85: {  	v11 =	vld.idx.msk [tilespmem:v3+s10+$0x0], $0xffff  }
0x86: {  	v8 =	vld.idx.msk [tilespmem:v2+s10+$0x0], $0xffff  }
0x87: {  	v13 =	vld [tilespmem:s21+$0x0];
	v9 =	vadd.s32 $0x2780, v1  }
0x88: {  	v12 =	vadd.s32 $0x2780, v3;
	v14 =	vld.idx.msk [tilespmem:v5+s10+$0x0], $0xffff  }
0x89: {  	v57 =	vadd.s32 $0x2780, v2;
	[tilespmem:v4+s16+$0x0] =	vst.idx.add.f32.msk $0xffff, v6  }
0x8a: {  	[tilespmem:v7+s16+$0x0] =	vst.idx.add.f32.msk $0xffff, v11  }
0x8b: {  	v16 =	vadd.s32 $0x2780, v5;
	[tilespmem:v10+s16+$0x0] =	vst.idx.add.f32.msk $0xffff, v8  }
0x8c: {  	v56 =	vadd.s32 $0x2780, v4;
	v6 =	vld.idx.msk [tilespmem:v9+s10+$0x0], $0xffff  }
0x8d: {  	v8 =	vadd.s32 $0x2780, v7;
	v12 =	vld.idx.msk [tilespmem:v12+s10+$0x0], $0xffff  }
0x8e: {  	v59 =	vadd.s32 $0x2780, v10;
	v11 =	vld.idx.msk [tilespmem:v57+s10+$0x0], $0xffff  }
0x8f: {  	v15 =	vadd.s32 $0x4F00, v1;
	[tilespmem:v13+s16+$0x0] =	vst.idx.add.f32.msk $0xffff, v14  }
0x90: {  	v17 =	vadd.s32 $0x2780, v13;
	v16 =	vld.idx.msk [tilespmem:v16+s10+$0x0], $0xffff  }
0x91: {  	v60 =	vadd.s32 $0x4F00, v5;
	[tilespmem:v56+s16+$0x0] =	vst.idx.add.f32.msk $0xffff, v6  }
0x92: {  	v6 =	vadd.s32 $0x4F00, v3;
	[tilespmem:v8+s16+$0x0] =	vst.idx.add.f32.msk $0xffff, v12  }
0x93: {  	v8 =	vadd.s32 $0x4F00, v2;
	[tilespmem:v59+s16+$0x0] =	vst.idx.add.f32.msk $0xffff, v11  }
0x94: {  	v58 =	vadd.s32 $0x4F00, v4;
	v9 =	vld.idx.msk [tilespmem:v15+s10+$0x0], $0xffff  }
0x95: {  	v1 =	vadd.s32 $0x7680, v1;
	[tilespmem:v17+s16+$0x0] =	vst.idx.add.f32.msk $0xffff, v16  }
0x96: {  	v63 =	vadd.s32 $0x4F00, v13;
	v12 =	vld.idx.msk [tilespmem:v60+s10+$0x0], $0xffff  }
0x97: {  	v61 =	vadd.s32 $0x4F00, v7;
	v6 =	vld.idx.msk [tilespmem:v6+s10+$0x0], $0xffff  }
0x98: {  	v62 =	vadd.s32 $0x4F00, v10;
	v8 =	vld.idx.msk [tilespmem:v8+s10+$0x0], $0xffff  }
0x99: {  	v3 =	vadd.s32 $0x7680, v3;
	[tilespmem:v58+s16+$0x0] =	vst.idx.add.f32.msk $0xffff, v9  }
0x9a: {  	v4 =	vadd.s32 $0x7680, v4;
	v1 =	vld.idx.msk [tilespmem:v1+s10+$0x0], $0xffff  }
0x9b: {  	[tilespmem:v63+s16+$0x0] =	vst.idx.add.f32.msk $0xffff, v12  }
0x9c: {  	[tilespmem:v61+s16+$0x0] =	vst.idx.add.f32.msk $0xffff, v6  }
0x9d: {  	[tilespmem:v62+s16+$0x0] =	vst.idx.add.f32.msk $0xffff, v8  }
0x9e: {  	v5 =	vadd.s32 $0x7680, v5;
	v6 =	vld.idx.msk [tilespmem:v3+s10+$0x0], $0xffff;
	v3 =	vadd.s32 $0x7680, v7  }
0x9f: {  	s23 =	simm.s32 $0x3F60;
	s22 =	simm.s32 $0x0;
	[tilespmem:v4+s16+$0x0] =	vst.idx.add.f32.msk $0xffff, v1;
	v4 =	vadd.s32 $0x7680, v2;
	v2 =	vadd.s32 $0x7680, v10;
	v1 =	vadd.s32 $0x7680, v13  }
.LBB2_7:
0xa0: {  	v7 =	vld [tilespmem:s23+$0x10];
	s22 =	sadd.s32 $0x4, s22  }
0xa1: {  	v8 =	vld [tilespmem:s23+$0xFFFFFFF0];
	p0 =	slt.u32 s22, $0x1F0  }
0xa2: {  	v9 =	vld [tilespmem:s23+$0x0]  }
0xa3: {  	v10 =	vld [tilespmem:s23+$0xFFFFFFE0]  }
0xa4: {  	v11 =	vld.idx.msk [tilespmem:v4+s10+$0x0], $0xffff  }
0xa5: {  	s21 =	sadd.s32 $0x40, s21;
	v12 =	vld.idx.msk [tilespmem:v5+s10+$0x0], $0xffff  }
0xa6: {  	v13 =	vadd.s32 $0x2780, v8;
	v14 =	vadd.s32 $0x4F00, v8;
	v4 =	vadd.s32 $0x7680, v8;
	v15 =	vld [tilespmem:s21+$0x10]  }
0xa7: {  	v16 =	vld [tilespmem:s21+$0xFFFFFFE0];
	v17 =	vadd.s32 $0x2780, v9;
	v18 =	vadd.s32 $0x4F00, v9;
	v5 =	vadd.s32 $0x7680, v9  }
0xa8: {  	v19 =	vadd.s32 $0x2780, v10;
	v20 =	vadd.s32 $0x4F00, v10;
	v21 =	vadd.s32 $0x7680, v10;
	v22 =	vld.idx.msk [tilespmem:v7+s10+$0x0], $0xffff  }
0xa9: {  	v8 =	vld.idx.msk [tilespmem:v8+s10+$0x0], $0xffff  }
0xaa: {  	v23 =	vadd.s32 $0x2780, v7;
	v9 =	vld.idx.msk [tilespmem:v9+s10+$0x0], $0xffff  }
0xab: {  	v10 =	vld.idx.msk [tilespmem:v10+s10+$0x0], $0xffff  }
0xac: {  	v24 =	vadd.s32 $0x2780, v16;
	v25 =	vadd.s32 $0x4F00, v16;
	v26 =	vadd.s32 $0x7680, v16;
	v27 =	vld [tilespmem:s21+$0xFFFFFFF0]  }
0xad: {  	v28 =	vld [tilespmem:s21+$0x0]  }
0xae: {  	[tilespmem:v15+s16+$0x0] =	vst.idx.add.f32.msk $0xffff, v22  }
0xaf: {  	v22 =	vld.idx.msk [tilespmem:v23+s10+$0x0], $0xffff  }
0xb0: {  	v23 =	vadd.s32 $0x2780, v15;
	[tilespmem:v3+s16+$0x0] =	vst.idx.add.f32.msk $0xffff, v6;
	v3 =	vmov v26  }
0xb1: {  	[tilespmem:v16+s16+$0x0] =	vst.idx.add.f32.msk $0xffff, v10;
	v6 =	vadd.s32 $0x2780, v27;
	v10 =	vadd.s32 $0x4F00, v27;
	v16 =	vadd.s32 $0x4F00, v7  }
0xb2: {  	v26 =	vadd.s32 $0x7680, v27;
	v19 =	vld.idx.msk [tilespmem:v19+s10+$0x0], $0xffff;
	v29 =	vadd.s32 $0x2780, v28;
	v30 =	vadd.s32 $0x4F00, v28  }
0xb3: {  	v31 =	vadd.s32 $0x7680, v28;
	[tilespmem:v2+s16+$0x0] =	vst.idx.add.f32.msk $0xffff, v11;
	v2 =	vmov v26  }
0xb4: {  	[tilespmem:v27+s16+$0x0] =	vst.idx.add.f32.msk $0xffff, v8  }
0xb5: {  	[tilespmem:v23+s16+$0x0] =	vst.idx.add.f32.msk $0xffff, v22  }
0xb6: {  	v8 =	vld.idx.msk [tilespmem:v16+s10+$0x0], $0xffff  }
0xb7: {  	[tilespmem:v28+s16+$0x0] =	vst.idx.add.f32.msk $0xffff, v9;
	v9 =	vadd.s32 $0x4F00, v15  }
0xb8: {  	v7 =	vadd.s32 $0x7680, v7;
	v11 =	vld.idx.msk [tilespmem:v13+s10+$0x0], $0xffff  }
0xb9: {  	v13 =	vld.idx.msk [tilespmem:v17+s10+$0x0], $0xffff  }
0xba: {  	[tilespmem:v24+s16+$0x0] =	vst.idx.add.f32.msk $0xffff, v19  }
0xbb: {  	v16 =	vld.idx.msk [tilespmem:v20+s10+$0x0], $0xffff  }
0xbc: {  	[tilespmem:v9+s16+$0x0] =	vst.idx.add.f32.msk $0xffff, v8  }
0xbd: {  	v7 =	vld.idx.msk [tilespmem:v7+s10+$0x0], $0xffff  }
0xbe: {  	[tilespmem:v6+s16+$0x0] =	vst.idx.add.f32.msk $0xffff, v11;
	v6 =	vadd.s32 $0x7680, v15  }
0xbf: {  	[tilespmem:v29+s16+$0x0] =	vst.idx.add.f32.msk $0xffff, v13  }
0xc0: {  	v8 =	vld.idx.msk [tilespmem:v14+s10+$0x0], $0xffff  }
0xc1: {  	v9 =	vld.idx.msk [tilespmem:v18+s10+$0x0], $0xffff  }
0xc2: {  	[tilespmem:v25+s16+$0x0] =	vst.idx.add.f32.msk $0xffff, v16  }
.Ltmp2:
0xc3: {  	[tilespmem:v6+s16+$0x0] =	vst.idx.add.f32.msk $0xffff, v7;
	(pc) =	sbr.rel @p0 .LBB2_7-.Ltmp2, $4  }
0xc4: {  	v6 =	vld.idx.msk [tilespmem:v21+s10+$0x0], $0xffff  }
0xc5: {  	[tilespmem:v1+s16+$0x0] =	vst.idx.add.f32.msk $0xffff, v12;
	v1 =	vmov v31  }
0xc6: {  	[tilespmem:v10+s16+$0x0] =	vst.idx.add.f32.msk $0xffff, v8  }
0xc7: {  	s23 =	sadd.s32 $0x40, s23;
	[tilespmem:v30+s16+$0x0] =	vst.idx.add.f32.msk $0xffff, v9  }
0xc8: {  	_ =	sdelay $0x3  }
0xc9: {  	v4 =	vld.idx.msk [tilespmem:v4+s10+$0x0], $0xffff  }
0xca: {  	v5 =	vld.idx.msk [tilespmem:v5+s10+$0x0], $0xffff;
	_ =	sdelay $0x1  }
0xcb: {  	s20 =	smin.u32 s20, $0x46500;
	s19 =	sadd.s32 $0x1, s19  }
0xcc: {  	[tilespmem:v3+s16+$0x0] =	vst.idx.add.f32.msk $0xffff, v6;
	s20 =	sshrl.u32 s20, $0x3;
	p0 =	sne.s32 s19, $0x14  }
.Ltmp3:
0xcd: {  	s20 =	sadd.s32 $0xBB8, s20;
	[tilespmem:v2+s16+$0x0] =	vst.idx.add.f32.msk $0xffff, v4;
	(pc) =	sbr.rel @p0 .LBB2_4-.Ltmp3, $4  }
0xce: {  	s21 =	sadd.s32 s3, s20;
	[tilespmem:v1+s16+$0x0] =	vst.idx.add.f32.msk $0xffff, v5  }
0xcf: {  	[tilespmem:s13], [sflag:$0x2] =	stream.linear.gather [hbm4b:s21+s2], $0x1F40, $0x38;
	[tilespmem:$0x1BA00] =	vst v63  }
0xd0: {  	s20 =	sadd.s32 s4, s20  }
0xd1: {  	[tilespmem:s14], [sflag:$0x2] =	stream.linear.gather [hbm4b:s20+s2], $0x1F40, $0x38;
	[tilespmem:$0x1BA00] =	vst v63  }
0xd2: {  	_ =	swait.ge [sflag:s15], $0x1F40  }
0xd3: {  	[sflag:s15] =	ssyncset.done $0x0  }
0xd4: {  	[sflag:s15] =	ssyncadd.s32 $0xFFFFE0C0  }
0xd5: {  	_ =	swait.ge [sflag:s15], $0x1F40  }
0xd6: {  	[sflag:s15] =	ssyncset.done $0x0  }
0xd7: {  	[sflag:s15] =	ssyncadd.s32 $0xFFFFE0C0  }
0xd8: {  	_ =	swait.ge [sflag:s17], $0x1F40  }
0xd9: {  	[sflag:s17] =	ssyncset.done $0x0  }
0xda: {  	[sflag:s17] =	ssyncadd.s32 $0xFFFFE0C0  }
0xdb: {  	s18 =	sadd.s32 $0x1, s18;
	_ =	swait.ge [sflag:s17], $0x1F40  }
0xdc: {  	p0 =	sne.s32 s18, s9;
	[sflag:s17] =	ssyncset.done $0x0  }
.Ltmp4:
0xdd: {  	[sflag:s17] =	ssyncadd.s32 $0xFFFFE0C0;
	(pc) =	sbr.rel @p0 .LBB2_1-.Ltmp4, $4  }
0xde: {  	[hbm4b:s8+s2] =	stream.linear.scatter [tilespmem:s16], [sflag:$0x3], $0x9E00, $0x38;
	[tilespmem:$0x1BA00] =	vst v63  }
0xdf: {  	_ =	swait.ge [sflag:s11], $0x9E00  }
0xe0: {  	[sflag:s11] =	ssyncset.done $0x0  }
0xe1: {  	[sflag:s11] =	ssyncadd.s32 $0xFFFF6200  }
0xe2: {  	_ =	sfence.sel $0x180000  }
0xe3: {  	[bflag:$0x0] =	sbarrier.arrive $0xFFFF  }
0xe4: {  	p0 =	sne.s32 s1, $0x0;
	_ =	strace $0x9000004A  }
0xe5: {  	s0 =	sadd.s32 @!p0 $0x100000, s0;
	[bflag:$0x2] =	sbarrier.arrive $0xFFFF  }
0xe6: {  	[sflag:s0] =	ssyncadd.tile.s32 @!p0 $0x1;
	_ =	shalt  }
.Lfunc_end2:
_tile_overlayer_lowered:
.L_overlay_start_2:
0xe7: {  	(tag) =	ssettag $0x2  }
0xe8: {  	s0 =	rddreg [dreg:$0x0];
	s2 =	stileid.u32  }
0xe9: {  	s1 =	rddreg [dreg:$0x1];
	p0 =	sne.s32 s2, $0x0  }
0xea: {  	s3 =	rddreg [dreg:$0x2];
	[bflag:$0x3] =	sbarrier.arrive $0xFFFF;
	s2 =	simm.s32 @!p0 $0x1C03  }
0xeb: {  	[timem:s3], [sflag:s2] =	dma.local @!p0 [hbm:s0], s1  }
0xec: {  	s0 =	simm.s32 @!p0 $0x3  }
0xed: {  	_ =	swait.ge @!p0 [sflag:s0], s1  }
0xee: {  	s1 =	ssub.s32 @!p0 $0x0, s1;
	[sflag:s0] =	ssyncset.done @!p0 $0x0  }
0xef: {  	[sflag:s0] =	ssyncadd.s32 @!p0 s1  }
0xf0: {  	[bflag:$0x3] =	sbarrier.arrive $0xFFFF  }
0xf1: {  	_ =	shalt  }

// kernel: kernel.7.cloned.1.call-start
scs
__scs_entry_jumppad:
0x0: {  	(pc) =	sbr.rel $0x88, $3  }
0x1: {  	(tag) =	ssettag $0x0;
	lr =	simm.s32 $0x1  }
0x2: {  	[smem:$0x3F96] =	sst lr;
	_ =	strace $0xD0000000  }
0x3: {  	_ = 	snop  }
0x4: {  	_ = 	snop  }
0x5: {  	_ = 	snop  }
0x6: {  	_ = 	snop  }
0x7: {  	_ = 	snop  }
__scs_overlays_trampoline_lowered:
0x8: {  	[smem:$0x3FA5] =	sst s0  }
0x9: {  	[smem:$0x3FA6] =	sst s1  }
0xa: {  	[smem:$0x3FA7] =	sst s2  }
0xb: {  	[smem:$0x3FA8] =	sst s3  }
0xc: {  	[smem:$0x3FA9] =	sst s4  }
0xd: {  	[smem:$0x3FAA] =	sst s5  }
0xe: {  	[smem:$0x3FAB] =	sst s6  }
0xf: {  	[smem:$0x3FAC] =	sst s7  }
0x10: {  	[smem:$0x3FAD] =	sst s8  }
0x11: {  	[smem:$0x3FAE] =	sst s9;
	s0 =	simm.s32 @!p0 $0x0  }
0x12: {  	s1 =	sld [smem:$0x3F94];
	s0 =	simm.s32 @p0 $0x1  }
0x13: {  	[smem:$0x3FAF] =	sst s0;
	s0 =	simm.s32 @!p1 $0x0  }
0x14: {  	s2 =	sld [smem:$0x3F93];
	s0 =	simm.s32 @p1 $0x1  }
0x15: {  	[smem:$0x3FB0] =	sst s0;
	s0 =	simm.s32 @!p2 $0x0  }
0x16: {  	s3 =	sld [smem:$0x3FDB];
	s0 =	simm.s32 @p2 $0x1  }
0x17: {  	s4 =	simm.s32 $0x1BF5;
	[smem:$0x3FB2] =	sst s0  }
0x18: {  	s0 =	sld [smem:$0x3F95];
	_ =	swait.ge [sflag:s4], $0x0  }
0x19: {  	s7 =	sld [smem:$0x3F96]  }
0x1a: {  	s8 =	sadd.s32 $0xFFFFE003, lr  }
0x1b: {  	s9 =	sadd.s32 $0xFFFFFEF7, lr;
	s5 =	simm.s32 $0xFFFFFFFF;
	p2 =	slt.u32 s8, $0xFFFFF086  }
0x1c: {  	p1 =	slt.u32 s9, $0xF7A;
	s5 =	simm.s32 @!p2 $0x0  }
0x1d: {  	s5 =	simm.s32 @p1 $0x1;
	p0 =	seq.s32 s7, s2  }
0x1e: {  	s7 =	smul.u32 @!p0 $0xF7A, s2;
	p2 =	seq.s32 @!p0 s5, $0x0  }
0x1f: {  	s9 =	smul.u32 $0xF7A, s1;
	s8 =	simm.s32 @!p0 $0x1BF5;
	p2 =	por !p2, p0  }
0x20: {  	[sflag:s8] =	ssyncset.s32 @!p0 $0xFFFFF086;
	s6 =	sadd.s32 @!p0 s3, s7;
	s7 =	simm.s32 @!p0 $0x108  }
0x21: {  	s3 =	sadd.s32 s3, s9;
	s6 =	sadd.s32 @!p0 $0x88, s6;
	s7 =	simm.s32 @p2 $0x1082  }
0x22: {  	[simem:s7], [sflag:s8] =	dma.local @!p0 [hbm:s6], $0xF7A  }
0x23: {  	s9 =	sor.u32 $0xD0000000, s2;
	s6 =	simm.s32 $0x108;
	_ =	swait.ge @!p0 [sflag:s8], $0x0  }
0x24: {  	s3 =	sadd.s32 $0x88, s3;
	s6 =	simm.s32 @!p1 $0x1082;
	[sflag:s4] =	ssyncset.s32 $0xFFFFF086  }
0x25: {  	[simem:s6], [sflag:s4] =	dma.local [hbm:s3], $0xF7A  }
0x26: {  	[smem:$0x3F96] =	sst s1;
	(tag) =	ssettag s2;
	_ =	strace s9  }
0x27: {  	s1 =	sld [smem:$0x3FA6]  }
0x28: {  	s2 =	sld [smem:$0x3FA7]  }
0x29: {  	s4 =	sld [smem:$0x3FA9]  }
0x2a: {  	p0 =	seq.s32 s5, $0x0;
	s5 =	sld [smem:$0x3FAA]  }
0x2b: {  	s6 =	sld [smem:$0x3FAB]  }
0x2c: {  	s7 =	sld [smem:$0x3FAC]  }
0x2d: {  	s3 =	simm.s32 $0x108;
	s8 =	sld [smem:$0x3FAD]  }
0x2e: {  	s3 =	simm.s32 @!p0 $0x1082;
	s9 =	sld [smem:$0x3FAE]  }
0x2f: {  	lr =	sadd.s32 s0, s3;
	s0 =	sld [smem:$0x3FA5]  }
0x30: {  	s3 =	sld [smem:$0x3FA8]  }
0x31: {  	[smem:$0x3FB1] =	sst s10  }
0x32: {  	s10 =	sld [smem:$0x3FAF];
	_ =	sdelay $0x3  }
0x33: {  	p0 =	seq.s32 s10, $0x1;
	s10 =	sld [smem:$0x3FB1];
	_ =	sdelay $0x3  }
0x34: {  	[smem:$0x3FB1] =	sst s10  }
0x35: {  	s10 =	sld [smem:$0x3FB0];
	_ =	sdelay $0x3  }
0x36: {  	p1 =	seq.s32 s10, $0x1;
	s10 =	sld [smem:$0x3FB1];
	_ =	sdelay $0x3  }
0x37: {  	[smem:$0x3FB1] =	sst s10  }
0x38: {  	s10 =	sld [smem:$0x3FB2]  }
0x39: {  	_ = 	snop;
	(pc) =	sbr.ind lr, $3  }
0x3a: {  	_ = 	snop  }
0x3b: {  	_ = 	snop  }
0x3c: {  	p2 =	seq.s32 s10, $0x1;
	s10 =	sld [smem:$0x3FB1]  }
0x3d: {  	_ =	shalt  }
0x3e: {  	_ =	shalt  }
0x3f: {  	_ =	shalt  }
0x40: {  	_ =	shalt  }
0x41: {  	_ =	shalt  }
0x42: {  	_ =	shalt  }
0x43: {  	_ =	shalt  }
0x44: {  	_ =	shalt  }
0x45: {  	_ =	shalt  }
0x46: {  	_ =	shalt  }
0x47: {  	_ =	shalt  }
0x48: {  	_ =	shalt  }
0x49: {  	_ =	shalt  }
0x4a: {  	_ =	shalt  }
0x4b: {  	_ =	shalt  }
0x4c: {  	_ =	shalt  }
0x4d: {  	_ =	shalt  }
0x4e: {  	_ =	shalt  }
0x4f: {  	_ =	shalt  }
0x50: {  	_ =	shalt  }
0x51: {  	_ =	shalt  }
0x52: {  	_ =	shalt  }
0x53: {  	_ =	shalt  }
0x54: {  	_ =	shalt  }
0x55: {  	_ =	shalt  }
0x56: {  	_ =	shalt  }
0x57: {  	_ =	shalt  }
0x58: {  	_ =	shalt  }
0x59: {  	_ =	shalt  }
0x5a: {  	_ =	shalt  }
0x5b: {  	_ =	shalt  }
0x5c: {  	_ =	shalt  }
0x5d: {  	_ =	shalt  }
0x5e: {  	_ =	shalt  }
0x5f: {  	_ =	shalt  }
0x60: {  	_ =	shalt  }
0x61: {  	_ =	shalt  }
0x62: {  	_ =	shalt  }
0x63: {  	_ =	shalt  }
0x64: {  	_ =	shalt  }
0x65: {  	_ =	shalt  }
0x66: {  	_ =	shalt  }
0x67: {  	_ =	shalt  }
0x68: {  	_ =	shalt  }
0x69: {  	_ =	shalt  }
0x6a: {  	_ =	shalt  }
0x6b: {  	_ =	shalt  }
0x6c: {  	_ =	shalt  }
0x6d: {  	_ =	shalt  }
0x6e: {  	_ =	shalt  }
0x6f: {  	_ =	shalt  }
0x70: {  	_ =	shalt  }
0x71: {  	_ =	shalt  }
0x72: {  	_ =	shalt  }
0x73: {  	_ =	shalt  }
0x74: {  	_ =	shalt  }
0x75: {  	_ =	shalt  }
0x76: {  	_ =	shalt  }
0x77: {  	_ =	shalt  }
0x78: {  	_ =	shalt  }
0x79: {  	_ =	shalt  }
0x7a: {  	_ =	shalt  }
0x7b: {  	_ =	shalt  }
0x7c: {  	_ =	shalt  }
0x7d: {  	_ =	shalt  }
0x7e: {  	_ =	shalt  }
0x7f: {  	_ =	shalt  }
0x80: {  	_ =	shalt  }
0x81: {  	_ =	shalt  }
0x82: {  	_ =	shalt  }
0x83: {  	_ =	shalt  }
0x84: {  	_ =	shalt  }
0x85: {  	_ =	shalt  }
0x86: {  	_ =	shalt  }
0x87: {  	_ =	shalt  }
.Lfunc_end0:
.L_simem_size_0:
called_computation_lowered:
.L_overlay_start_0:
0x88: {  	s2 =	sld [smem:$0x3FD9]  }
0x89: {  	s3 =	sld [smem:$0x3FFE];
	_ =	sdelay $0x1  }
0x8a: {  	s1 =	srdreg.scid  }
0x8b: {  	s0 =	sand.u32 $0x1, s1  }
0x8c: {  	s16 =	sshll.u32 s0, $0xA;
	s2 =	sadd.s32 s3, s2  }
0x8d: {  	s2 =	sadd.s32 s2, s16  }
0x8e: {  	[smem:$0x3FBD] =	sst s2  }
0x8f: {  	_ = 	snop  }
0x90: {  	(tm) =	ssettm $0x1  }
0x91: {  	s17 =	sld [smem:$0x3FFB];
	_ =	sdelay $0x3  }
0x92: {  	_ =	strace s17  }
0x93: {  	s2 =	sld [smem:$0x3FFC];
	_ =	sdelay $0x3  }
0x94: {  	_ =	strace s2  }
0x95: {  	s2 =	sld [smem:$0x3FFD];
	_ =	sdelay $0x3  }
0x96: {  	_ =	strace s2  }
0x97: {  	_ =	strace $0x8FFFFFFF  }
0x98: {  	s18 =	sld [smem:$0x3FDB];
	_ =	sdelay $0x1  }
0x99: {  	s19 =	simm.s32 $_scs_section_size  }
0x9a: {  	s4 =	simm.s32 $_size__tile_overlayer_lowered;
	s5 =	simm.s32 $_tile_overlayer_lowered  }
0x9b: {  	s22 =	simm.s32 $0x1BFF;
	s21 =	sshll.u32 s5, $0x1;
	s2 =	sadd.s32 s19, s18  }
0x9c: {  	s6 =	simm.s32 $0x0;
	s20 =	sshll.u32 s4, $0x1;
	s4 =	sadd.s32 s21, s2  }
0x9d: {  	[timem:s6], [sflag:s22] =	dma.local [hbm:s4], s20  }
0x9e: {  	_ =	swait.ge [sflag:s22], s20  }
0x9f: {  	s3 =	ssub.s32 $0x0, s20;
	[sflag:s22] =	ssyncset.done $0x0  }
0xa0: {  	[sflag:s22] =	ssyncadd.s32 s3;
	_ =	sdelay $0x1  }
0xa1: {  	s23 =	simm.s32 $0x1B8B  }
0xa2: {  	_ =	swait.ge [sflag:s23], $0x1  }
0xa3: {  	[sflag:s23] =	ssyncset.done $0x0  }
0xa4: {  	s25 =	simm.s32 $0x1B8E;
	s24 =	sld [smem:$0x3FFE];
	[sflag:s23] =	ssyncadd.s32 $0xFFFFFFFF  }
0xa5: {  	s26 =	simm.s32 $execute0_lowered;
	[smem:$0x3FD2] =	sst s25  }
0xa6: {  	s4 =	sshll.u32 s26, $0x1;
	_ =	strace $0x80000046;
	[dreg:$0x1] =	wrdreg $0xFFFFFFFF  }
0xa7: {  	s28 =	simm.s32 $_size_execute0_lowered;
	s2 =	sadd.s32 s2, s4;
	[dreg:$0x0] =	wrdreg $0x0  }
0xa8: {  	s4 =	sshll.u32 s28, $0x1;
	[dreg:$0x2] =	wrdreg s2  }
0xa9: {  	[dreg:$0x3] =	wrdreg s4  }
0xaa: {  	[dreg:$0x4] =	wrdreg $0xC0  }
0xab: {  	_ =	task [dreg:s6], $0x5FFFF  }
0xac: {  	[dreg:$0x1] =	wrdreg $0xFFFFFFFF  }
0xad: {  	[dreg:$0x0] =	wrdreg $0x60  }
0xae: {  	[dreg:$0x2] =	wrdreg s24  }
0xaf: {  	[dreg:$0x3] =	wrdreg $0x9  }
0xb0: {  	_ =	task.clear_ibuf [dreg:s6], $0x4FFFF;
	_ =	strace $0x90000046  }
0xb1: {  	s29 =	simm.s32 $0x9;
	_ =	strace $0x80000048  }
0xb2: {  	_ =	swait.ge [sflag:s29], $0x1  }
0xb3: {  	[sflag:s29] =	ssyncadd.s32 $0xFFFFFFFF  }
0xb4: {  	_ =	strace $0x90000048  }
0xb5: {  	_ =	sfence  }
0xb6: {  	s30 =	sld [smem:$0x0];
	_ =	sdelay $0x2  }
0xb7: {  	s31 =	sshll.u32 s1, $0xD;
	s1 =	sshrl.u32 s1, $0x2  }
0xb8: {  	s3 =	sand.u32 $0x4000, s31;
	s1 =	sadd.s32 s1, s30  }
0xb9: {  	s0 =	sor.u32 s3, s0;
	s1 =	sshll.u32 s1, $0x11  }
0xba: {  	s0 =	sor.u32 s1, s0  }
0xbb: {  	s0 =	sadd.s32 $0x8F2B, s0  }
0xbc: {  	[sflag:s0] =	ssyncadd.remote.s32 $0x1  }
0xbd: {  	_ =	sfence.sel $0xFFFF  }
0xbe: {  	[dreg:$0x0] =	wrdreg $0xFFFFFFFF;
	(pc) =	sbr.abs _section_cstart, $3  }
0xbf: {  	[dreg:$0x1] =	wrdreg $0xFFFFFFFF  }
0xc0: {  	_ =	task.clear_ibuf [dreg:s6], $0x2FFFF;
	_ =	strace $0x9FFFFFFF  }
0xc1: {  	(tm) =	ssettm $0x7FFFFFFF  }
tec
execute0_lowered:
.L_overlay_start_1:
0x0: {  	(tag) =	ssettag $0x1  }
0x1: {  	s8 =	rddreg [dreg:$0x0]  }
0x2: {  	s1 =	srdreg.scid;
	s0 =	rddreg [dreg:$0x1]  }
0x3: {  	s2 =	simm.s32 $0x0;
	s11 =	simm.s32 $0x7E00;
	s12 =	simm.s32 $0x3  }
0x4: {  	s13 =	simm.s32 $0x1F80;
	s14 =	simm.s32 $0x3F00;
	s15 =	simm.s32 $0x5E80  }
0x5: {  	s16 =	simm.s32 $0x1;
	s17 =	simm.s32 $0x11C00;
	s18 =	simm.s32 $0x2  }
0x6: {  	s3 =	sand.u32 $0x1, s1;
	s1 =	stileid.u32;
	[smem:$0x7FF] =	sst s2  }
0x7: {  	s4 =	sshll.u32 s3, $0x4;
	_ =	strace $0x80000047;
	s6 =	ssub.s32 $0x2, s3  }
0x8: {  	s3 =	sadd.s32 $0xB800, s8;
	s19 =	sor.u32 s1, s4;
	s7 =	sshrl.u32 s6, $0x1  }
0x9: {  	s4 =	sadd.s32 $0x1A00, s8;
	s5 =	smul.u32 $0x13C0, s19;
	s10 =	ssub.s32 s6, s7  }
0xa: {  	s7 =	sadd.s32 $0xBBE8, s8;
	p0 =	sne.s32 s19, $0x0;
	s19 =	simm.s32 $0x0  }
0xb: {  	s10 =	smax.u32 s10, $0x1;
	s9 =	sadd.s32 s5, s8;
	s5 =	sadd.s32 $0x3CE00, s8  }
0xc: {  	v0 =	vimm.f32 $0.0e+00;
	v1 =	vimm.f32 $1.000000000e+00;
	s8 =	sadd.s32 $0x1DE8, s8;
	s6 =	sadd.s32 $0x15600, s9;
	s9 =	sadd.s32 $0x3D400, s9  }
.LBB2_1:
0xd: {  	[tilespmem:s11], [sflag:$0x3] =	stream.linear.gather [hbm4b:s6+s2], $0x9E00, $0x38;
	[tilespmem:$0x1E180] =	vst v63  }
0xe: {  	_ =	swait.ge [sflag:s12], $0x9E00  }
0xf: {  	[sflag:s12] =	ssyncset.done $0x0  }
0x10: {  	s20 =	simm.s32 $0x40;
	s21 =	simm.s32 $0x0;
	[sflag:s12] =	ssyncadd.s32 $0xFFFF6200  }
.LBB2_2:
0x11: {  	p1 =	sne.s32 s20, $0x315C0;
	[tilespmem:s21+$0x11C00] =	vst v0;
	s21 =	smov.u32 s20;
	s20 =	sadd.s32 $0x40, s20  }
.Ltmp0:
0x12: {  	(pc) =	sbr.rel @p1 .LBB2_2-.Ltmp0, $2  }
0x13: {  	_ =	sdelay $0x2  }
0x14: {  	s21 =	sshra.s32 s21, $0x2  }
0x15: {  	[tilespmem:s21+$0x11C00] =	vst v0;
	s20 =	simm.s32 $0x0  }
0x16: {  	[tilespmem:s20], [sflag:$0x1] =	stream.linear.gather [hbm4b:s3+s20], $0x1F40, $0x38;
	[tilespmem:$0x1E180] =	vst v63  }
0x17: {  	_ = 	snop  }
0x18: {  	[tilespmem:s13], [sflag:$0x1] =	stream.linear.gather [hbm4b:s4+s20], $0x1F40, $0x38;
	[tilespmem:$0x1E180] =	vst v63  }
0x19: {  	_ = 	snop  }
0x1a: {  	[tilespmem:s14], [sflag:$0x2] =	stream.linear.gather [hbm4b:s7+s20], $0x1F40, $0x38;
	[tilespmem:$0x1E180] =	vst v63  }
0x1b: {  	_ = 	snop  }
0x1c: {  	[tilespmem:s15], [sflag:$0x2] =	stream.linear.gather [hbm4b:s8+s20], $0x1F40, $0x38;
	[tilespmem:$0x1E180] =	vst v63  }
.LBB2_4:
0x1d: {  	_ =	swait.ge [sflag:s16], $0x1F40  }
0x1e: {  	[sflag:s16] =	ssyncset.done $0x0  }
0x1f: {  	[sflag:s16] =	ssyncadd.s32 $0xFFFFE0C0  }
0x20: {  	_ =	swait.ge [sflag:s16], $0x1F40  }
0x21: {  	[sflag:s16] =	ssyncset.done $0x0  }
0x22: {  	s22 =	simm.s32 $0x20;
	[sflag:s16] =	ssyncadd.s32 $0xFFFFE0C0  }
0x23: {  	v2 =	vld [tilespmem:s22+$0x10]  }
0x24: {  	v4 =	vld [tilespmem:s22+$0xFFFFFFE0]  }
0x25: {  	s21 =	simm.s32 $0x1FA0;
	v3 =	vld [tilespmem:s22+$0xFFFFFFF0]  }
0x26: {  	v5 =	vld [tilespmem:s21+$0x10]  }
0x27: {  	v6 =	vld [tilespmem:s22+$0x0]  }
0x28: {  	v7 =	vld [tilespmem:s21+$0xFFFFFFE0]  }
0x29: {  	v11 =	vld [tilespmem:s21+$0xFFFFFFF0]  }
0x2a: {  	v14 =	vld [tilespmem:s21+$0x0]  }
0x2b: {  	v8 =	vld.idx.msk [tilespmem:v2+s11+$0x0], $0xffff  }
0x2c: {  	v12 =	vld.idx.msk [tilespmem:v4+s11+$0x0], $0xffff  }
0x2d: {  	v9 =	vld.idx.msk [tilespmem:v3+s11+$0x0], $0xffff  }
0x2e: {  	v10 =	vadd.s32 $0x2780, v2  }
0x2f: {  	v15 =	vld.idx.msk [tilespmem:v6+s11+$0x0], $0xffff  }
0x30: {  	v13 =	vadd.s32 $0x2780, v4;
	[tilespmem:v5+s17+$0x0] =	vst.idx.add.f32.msk $0xffff, v8  }
0x31: {  	v17 =	vadd.s32 $0x2780, v6;
	[tilespmem:v7+s17+$0x0] =	vst.idx.add.f32.msk $0xffff, v12  }
0x32: {  	v56 =	vadd.s32 $0x2780, v3;
	[tilespmem:v11+s17+$0x0] =	vst.idx.add.f32.msk $0xffff, v9  }
0x33: {  	v8 =	vld.idx.msk [tilespmem:v10+s11+$0x0], $0xffff;
	v10 =	vadd.s32 $0x2780, v5  }
0x34: {  	v16 =	vadd.s32 $0x4F00, v2;
	[tilespmem:v14+s17+$0x0] =	vst.idx.add.f32.msk $0xffff, v15  }
0x35: {  	v9 =	vadd.s32 $0x2780, v7;
	v13 =	vld.idx.msk [tilespmem:v13+s11+$0x0], $0xffff  }
0x36: {  	v18 =	vadd.s32 $0x2780, v14;
	v17 =	vld.idx.msk [tilespmem:v17+s11+$0x0], $0xffff  }
0x37: {  	v59 =	vadd.s32 $0x4F00, v6;
	v12 =	vld.idx.msk [tilespmem:v56+s11+$0x0], $0xffff  }
0x38: {  	[tilespmem:v10+s17+$0x0] =	vst.idx.add.f32.msk $0xffff, v8;
	v8 =	vadd.s32 $0x4F00, v4  }
0x39: {  	v57 =	vadd.s32 $0x4F00, v5;
	v10 =	vld.idx.msk [tilespmem:v16+s11+$0x0], $0xffff  }
0x3a: {  	v2 =	vadd.s32 $0x7680, v2;
	[tilespmem:v9+s17+$0x0] =	vst.idx.add.f32.msk $0xffff, v13  }
0x3b: {  	v58 =	vadd.s32 $0x2780, v11;
	[tilespmem:v18+s17+$0x0] =	vst.idx.add.f32.msk $0xffff, v17  }
0x3c: {  	v9 =	vadd.s32 $0x4F00, v3;
	v13 =	vld.idx.msk [tilespmem:v59+s11+$0x0], $0xffff  }
0x3d: {  	v62 =	vadd.s32 $0x4F00, v14;
	v8 =	vld.idx.msk [tilespmem:v8+s11+$0x0], $0xffff  }
0x3e: {  	[tilespmem:v57+s17+$0x0] =	vst.idx.add.f32.msk $0xffff, v10;
	v10 =	vadd.s32 $0x4F00, v7  }
0x3f: {  	v60 =	vadd.s32 $0x7680, v5;
	v2 =	vld.idx.msk [tilespmem:v2+s11+$0x0], $0xffff  }
0x40: {  	[tilespmem:v58+s17+$0x0] =	vst.idx.add.f32.msk $0xffff, v12;
	v4 =	vadd.s32 $0x7680, v4  }
0x41: {  	v61 =	vadd.s32 $0x4F00, v11;
	v9 =	vld.idx.msk [tilespmem:v9+s11+$0x0], $0xffff  }
0x42: {  	v3 =	vadd.s32 $0x7680, v3;
	[tilespmem:v62+s17+$0x0] =	vst.idx.add.f32.msk $0xffff, v13  }
0x43: {  	v5 =	vadd.s32 $0x9E00, v5;
	[tilespmem:v10+s17+$0x0] =	vst.idx.add.f32.msk $0xffff, v8  }
0x44: {  	[tilespmem:v60+s17+$0x0] =	vst.idx.add.f32.msk $0xffff, v2;
	v2 =	vadd.s32 $0x7680, v6  }
0x45: {  	v10 =	vadd.s32 $0x7680, v7;
	v63 =	vld.idx.msk [tilespmem:v4+s11+$0x0], $0xffff  }
0x46: {  	[tilespmem:v61+s17+$0x0] =	vst.idx.add.f32.msk $0xffff, v9  }
0x47: {  	v8 =	vld.idx.msk [tilespmem:v3+s11+$0x0], $0xffff  }
0x48: {  	[tilespmem:v5+s17+$0x0] =	vst.idx.add.f32.msk $0xffff, v1  }
0x49: {  	v3 =	vadd.s32 $0x7680, v14;
	v5 =	vadd.s32 $0x9E00, v7;
	v7 =	vld.idx.msk [tilespmem:v2+s11+$0x0], $0xffff  }
0x4a: {  	s23 =	simm.s32 $0x60;
	s22 =	simm.s32 $0x0;
	v6 =	vadd.s32 $0x7680, v11;
	v4 =	vadd.s32 $0x9E00, v11;
	v2 =	vadd.s32 $0x9E00, v14;
	[tilespmem:v10+s17+$0x0] =	vst.idx.add.f32.msk $0xffff, v63  }
.LBB2_5:
0x4b: {  	v9 =	vld [tilespmem:s23+$0x10]  }
0x4c: {  	s22 =	sadd.s32 $0x4, s22;
	v10 =	vld [tilespmem:s23+$0xFFFFFFF0]  }
0x4d: {  	p1 =	slt.u32 s22, $0x1F0;
	v11 =	vld [tilespmem:s23+$0x0]  }
0x4e: {  	v12 =	vld [tilespmem:s23+$0xFFFFFFE0]  }
0x4f: {  	[tilespmem:v5+s17+$0x0] =	vst.idx.add.f32.msk $0xffff, v1  }
0x50: {  	s21 =	sadd.s32 $0x40, s21;
	[tilespmem:v6+s17+$0x0] =	vst.idx.add.f32.msk $0xffff, v8  }
0x51: {  	v8 =	vadd.s32 $0x2780, v10;
	v13 =	vadd.s32 $0x4F00, v10;
	v14 =	vadd.s32 $0x7680, v10;
	v15 =	vld [tilespmem:s21+$0x10]  }
0x52: {  	v6 =	vld [tilespmem:s21+$0xFFFFFFE0];
	v16 =	vadd.s32 $0x2780, v11;
	v17 =	vadd.s32 $0x4F00, v11;
	v18 =	vadd.s32 $0x7680, v11  }
0x53: {  	v19 =	vadd.s32 $0x2780, v12;
	v20 =	vadd.s32 $0x4F00, v12;
	v21 =	vadd.s32 $0x7680, v12;
	v22 =	vld.idx.msk [tilespmem:v9+s11+$0x0], $0xffff  }
0x54: {  	v10 =	vld.idx.msk [tilespmem:v10+s11+$0x0], $0xffff  }
0x55: {  	v23 =	vadd.s32 $0x2780, v9;
	v11 =	vld.idx.msk [tilespmem:v11+s11+$0x0], $0xffff  }
0x56: {  	v12 =	vld.idx.msk [tilespmem:v12+s11+$0x0], $0xffff  }
0x57: {  	v24 =	vadd.s32 $0x2780, v6;
	v25 =	vadd.s32 $0x4F00, v6;
	v26 =	vadd.s32 $0x7680, v6;
	v27 =	vld [tilespmem:s21+$0xFFFFFFF0]  }
0x58: {  	v5 =	vadd.s32 $0x9E00, v6;
	v28 =	vld [tilespmem:s21+$0x0]  }
0x59: {  	[tilespmem:v15+s17+$0x0] =	vst.idx.add.f32.msk $0xffff, v22  }
0x5a: {  	v22 =	vld.idx.msk [tilespmem:v23+s11+$0x0], $0xffff  }
0x5b: {  	v23 =	vadd.s32 $0x2780, v15;
	[tilespmem:v4+s17+$0x0] =	vst.idx.add.f32.msk $0xffff, v1  }
0x5c: {  	v30 =	vadd.s32 $0x4F00, v9;
	[tilespmem:v6+s17+$0x0] =	vst.idx.add.f32.msk $0xffff, v12;
	v12 =	vadd.s32 $0x2780, v27;
	v29 =	vadd.s32 $0x4F00, v27  }
0x5d: {  	v6 =	vadd.s32 $0x7680, v27;
	v19 =	vld.idx.msk [tilespmem:v19+s11+$0x0], $0xffff;
	v31 =	vadd.s32 $0x2780, v28;
	v32 =	vadd.s32 $0x4F00, v28  }
0x5e: {  	v4 =	vadd.s32 $0x9E00, v27;
	v33 =	vadd.s32 $0x9E00, v28;
	[tilespmem:v3+s17+$0x0] =	vst.idx.add.f32.msk $0xffff, v7;
	v3 =	vadd.s32 $0x7680, v28  }
0x5f: {  	[tilespmem:v27+s17+$0x0] =	vst.idx.add.f32.msk $0xffff, v10  }
0x60: {  	[tilespmem:v23+s17+$0x0] =	vst.idx.add.f32.msk $0xffff, v22  }
0x61: {  	v7 =	vld.idx.msk [tilespmem:v30+s11+$0x0], $0xffff  }
0x62: {  	v10 =	vadd.s32 $0x4F00, v15;
	[tilespmem:v28+s17+$0x0] =	vst.idx.add.f32.msk $0xffff, v11  }
0x63: {  	v9 =	vadd.s32 $0x7680, v9;
	v8 =	vld.idx.msk [tilespmem:v8+s11+$0x0], $0xffff  }
0x64: {  	v11 =	vld.idx.msk [tilespmem:v16+s11+$0x0], $0xffff  }
0x65: {  	[tilespmem:v24+s17+$0x0] =	vst.idx.add.f32.msk $0xffff, v19  }
0x66: {  	v16 =	vld.idx.msk [tilespmem:v20+s11+$0x0], $0xffff  }
0x67: {  	[tilespmem:v10+s17+$0x0] =	vst.idx.add.f32.msk $0xffff, v7  }
0x68: {  	v7 =	vld.idx.msk [tilespmem:v9+s11+$0x0], $0xffff  }
0x69: {  	[tilespmem:v12+s17+$0x0] =	vst.idx.add.f32.msk $0xffff, v8;
	v8 =	vadd.s32 $0x7680, v15  }
0x6a: {  	v9 =	vadd.s32 $0x9E00, v15;
	[tilespmem:v31+s17+$0x0] =	vst.idx.add.f32.msk $0xffff, v11  }
0x6b: {  	v10 =	vld.idx.msk [tilespmem:v13+s11+$0x0], $0xffff  }
0x6c: {  	v11 =	vld.idx.msk [tilespmem:v17+s11+$0x0], $0xffff  }
0x6d: {  	[tilespmem:v25+s17+$0x0] =	vst.idx.add.f32.msk $0xffff, v16  }
0x6e: {  	[tilespmem:v8+s17+$0x0] =	vst.idx.add.f32.msk $0xffff, v7  }
0x6f: {  	[tilespmem:v9+s17+$0x0] =	vst.idx.add.f32.msk $0xffff, v1  }
0x70: {  	v9 =	vld.idx.msk [tilespmem:v21+s11+$0x0], $0xffff  }
0x71: {  	[tilespmem:v29+s17+$0x0] =	vst.idx.add.f32.msk $0xffff, v10  }
.Ltmp1:
0x72: {  	[tilespmem:v32+s17+$0x0] =	vst.idx.add.f32.msk $0xffff, v11;
	(pc) =	sbr.rel @p1 .LBB2_5-.Ltmp1, $4  }
0x73: {  	v8 =	vld.idx.msk [tilespmem:v14+s11+$0x0], $0xffff  }
0x74: {  	v7 =	vld.idx.msk [tilespmem:v18+s11+$0x0], $0xffff  }
0x75: {  	[tilespmem:v2+s17+$0x0] =	vst.idx.add.f32.msk $0xffff, v1;
	v2 =	vmov v33  }
0x76: {  	s23 =	sadd.s32 $0x40, s23;
	[tilespmem:v26+s17+$0x0] =	vst.idx.add.f32.msk $0xffff, v9  }
0x77: {  	_ =	sdelay $0x2  }
0x78: {  	s21 =	smul.u32 $0x3E80, s20  }
0x79: {  	[tilespmem:v5+s17+$0x0] =	vst.idx.add.f32.msk $0xffff, v1  }
0x7a: {  	[tilespmem:v6+s17+$0x0] =	vst.idx.add.f32.msk $0xffff, v8;
	s22 =	smin.u32 s21, $0x48440  }
0x7b: {  	[tilespmem:v4+s17+$0x0] =	vst.idx.add.f32.msk $0xffff, v1;
	s22 =	sshrl.u32 s22, $0x3  }
0x7c: {  	[tilespmem:v3+s17+$0x0] =	vst.idx.add.f32.msk $0xffff, v7;
	s22 =	sadd.s32 $0x7D0, s22  }
0x7d: {  	[tilespmem:v2+s17+$0x0] =	vst.idx.add.f32.msk $0xffff, v1;
	s23 =	sadd.s32 s3, s22  }
0x7e: {  	[tilespmem:s2], [sflag:$0x1] =	stream.linear.gather [hbm4b:s23+s2], $0x1F40, $0x38;
	[tilespmem:$0x1E180] =	vst v63  }
0x7f: {  	s22 =	sadd.s32 s4, s22  }
0x80: {  	[tilespmem:s13], [sflag:$0x1] =	stream.linear.gather [hbm4b:s22+s2], $0x1F40, $0x38;
	[tilespmem:$0x1E180] =	vst v63  }
0x81: {  	_ =	swait.ge [sflag:s18], $0x1F40  }
0x82: {  	[sflag:s18] =	ssyncset.done $0x0  }
0x83: {  	[sflag:s18] =	ssyncadd.s32 $0xFFFFE0C0  }
0x84: {  	_ =	swait.ge [sflag:s18], $0x1F40  }
0x85: {  	[sflag:s18] =	ssyncset.done $0x0  }
0x86: {  	s31 =	simm.s32 $0x3F20;
	[sflag:s18] =	ssyncadd.s32 $0xFFFFE0C0  }
0x87: {  	v2 =	vld [tilespmem:s31+$0x10]  }
0x88: {  	v4 =	vld [tilespmem:s31+$0xFFFFFFE0]  }
0x89: {  	s22 =	simm.s32 $0x5EA0;
	v3 =	vld [tilespmem:s31+$0xFFFFFFF0]  }
0x8a: {  	v5 =	vld [tilespmem:s22+$0x10]  }
0x8b: {  	v6 =	vld [tilespmem:s31+$0x0]  }
0x8c: {  	v7 =	vld [tilespmem:s22+$0xFFFFFFE0]  }
0x8d: {  	v11 =	vld [tilespmem:s22+$0xFFFFFFF0]  }
0x8e: {  	v14 =	vld [tilespmem:s22+$0x0]  }
0x8f: {  	v8 =	vld.idx.msk [tilespmem:v2+s11+$0x0], $0xffff  }
0x90: {  	v12 =	vld.idx.msk [tilespmem:v4+s11+$0x0], $0xffff  }
0x91: {  	v9 =	vld.idx.msk [tilespmem:v3+s11+$0x0], $0xffff  }
0x92: {  	v10 =	vadd.s32 $0x2780, v2  }
0x93: {  	v15 =	vld.idx.msk [tilespmem:v6+s11+$0x0], $0xffff  }
0x94: {  	v13 =	vadd.s32 $0x2780, v4;
	[tilespmem:v5+s17+$0x0] =	vst.idx.add.f32.msk $0xffff, v8  }
0x95: {  	v17 =	vadd.s32 $0x2780, v6;
	[tilespmem:v7+s17+$0x0] =	vst.idx.add.f32.msk $0xffff, v12  }
0x96: {  	v56 =	vadd.s32 $0x2780, v3;
	[tilespmem:v11+s17+$0x0] =	vst.idx.add.f32.msk $0xffff, v9  }
0x97: {  	v8 =	vld.idx.msk [tilespmem:v10+s11+$0x0], $0xffff;
	v10 =	vadd.s32 $0x2780, v5  }
0x98: {  	v16 =	vadd.s32 $0x4F00, v2;
	[tilespmem:v14+s17+$0x0] =	vst.idx.add.f32.msk $0xffff, v15  }
0x99: {  	v9 =	vadd.s32 $0x2780, v7;
	v13 =	vld.idx.msk [tilespmem:v13+s11+$0x0], $0xffff  }
0x9a: {  	v18 =	vadd.s32 $0x2780, v14;
	v17 =	vld.idx.msk [tilespmem:v17+s11+$0x0], $0xffff  }
0x9b: {  	v59 =	vadd.s32 $0x4F00, v6;
	v12 =	vld.idx.msk [tilespmem:v56+s11+$0x0], $0xffff  }
0x9c: {  	[tilespmem:v10+s17+$0x0] =	vst.idx.add.f32.msk $0xffff, v8;
	v8 =	vadd.s32 $0x4F00, v4  }
0x9d: {  	v57 =	vadd.s32 $0x4F00, v5;
	v10 =	vld.idx.msk [tilespmem:v16+s11+$0x0], $0xffff  }
0x9e: {  	v2 =	vadd.s32 $0x7680, v2;
	[tilespmem:v9+s17+$0x0] =	vst.idx.add.f32.msk $0xffff, v13  }
0x9f: {  	v58 =	vadd.s32 $0x2780, v11;
	[tilespmem:v18+s17+$0x0] =	vst.idx.add.f32.msk $0xffff, v17  }
0xa0: {  	v9 =	vadd.s32 $0x4F00, v3;
	v13 =	vld.idx.msk [tilespmem:v59+s11+$0x0], $0xffff  }
0xa1: {  	v62 =	vadd.s32 $0x4F00, v14;
	v8 =	vld.idx.msk [tilespmem:v8+s11+$0x0], $0xffff  }
0xa2: {  	[tilespmem:v57+s17+$0x0] =	vst.idx.add.f32.msk $0xffff, v10;
	v10 =	vadd.s32 $0x4F00, v7  }
0xa3: {  	v60 =	vadd.s32 $0x7680, v5;
	v2 =	vld.idx.msk [tilespmem:v2+s11+$0x0], $0xffff  }
0xa4: {  	[tilespmem:v58+s17+$0x0] =	vst.idx.add.f32.msk $0xffff, v12;
	v4 =	vadd.s32 $0x7680, v4  }
0xa5: {  	v61 =	vadd.s32 $0x4F00, v11;
	v9 =	vld.idx.msk [tilespmem:v9+s11+$0x0], $0xffff  }
0xa6: {  	v3 =	vadd.s32 $0x7680, v3;
	[tilespmem:v62+s17+$0x0] =	vst.idx.add.f32.msk $0xffff, v13  }
0xa7: {  	v5 =	vadd.s32 $0x9E00, v5;
	[tilespmem:v10+s17+$0x0] =	vst.idx.add.f32.msk $0xffff, v8  }
0xa8: {  	[tilespmem:v60+s17+$0x0] =	vst.idx.add.f32.msk $0xffff, v2;
	v2 =	vadd.s32 $0x7680, v6  }
0xa9: {  	v10 =	vadd.s32 $0x7680, v7;
	v63 =	vld.idx.msk [tilespmem:v4+s11+$0x0], $0xffff  }
0xaa: {  	[tilespmem:v61+s17+$0x0] =	vst.idx.add.f32.msk $0xffff, v9  }
0xab: {  	v8 =	vld.idx.msk [tilespmem:v3+s11+$0x0], $0xffff  }
0xac: {  	[tilespmem:v5+s17+$0x0] =	vst.idx.add.f32.msk $0xffff, v1  }
0xad: {  	v3 =	vadd.s32 $0x7680, v14;
	v5 =	vadd.s32 $0x9E00, v7;
	v7 =	vld.idx.msk [tilespmem:v2+s11+$0x0], $0xffff  }
0xae: {  	s24 =	simm.s32 $0x3F60;
	s23 =	simm.s32 $0x0;
	v6 =	vadd.s32 $0x7680, v11;
	v4 =	vadd.s32 $0x9E00, v11;
	v2 =	vadd.s32 $0x9E00, v14;
	[tilespmem:v10+s17+$0x0] =	vst.idx.add.f32.msk $0xffff, v63  }
.LBB2_7:
0xaf: {  	v9 =	vld [tilespmem:s24+$0x10]  }
0xb0: {  	s23 =	sadd.s32 $0x4, s23;
	v10 =	vld [tilespmem:s24+$0xFFFFFFF0]  }
0xb1: {  	p1 =	slt.u32 s23, $0x1F0;
	v11 =	vld [tilespmem:s24+$0x0]  }
0xb2: {  	v12 =	vld [tilespmem:s24+$0xFFFFFFE0]  }
0xb3: {  	[tilespmem:v5+s17+$0x0] =	vst.idx.add.f32.msk $0xffff, v1  }
0xb4: {  	s22 =	sadd.s32 $0x40, s22;
	[tilespmem:v6+s17+$0x0] =	vst.idx.add.f32.msk $0xffff, v8  }
0xb5: {  	v8 =	vadd.s32 $0x2780, v10;
	v13 =	vadd.s32 $0x4F00, v10;
	v14 =	vadd.s32 $0x7680, v10;
	v15 =	vld [tilespmem:s22+$0x10]  }
0xb6: {  	v6 =	vld [tilespmem:s22+$0xFFFFFFE0];
	v16 =	vadd.s32 $0x2780, v11;
	v17 =	vadd.s32 $0x4F00, v11;
	v18 =	vadd.s32 $0x7680, v11  }
0xb7: {  	v19 =	vadd.s32 $0x2780, v12;
	v20 =	vadd.s32 $0x4F00, v12;
	v21 =	vadd.s32 $0x7680, v12;
	v22 =	vld.idx.msk [tilespmem:v9+s11+$0x0], $0xffff  }
0xb8: {  	v10 =	vld.idx.msk [tilespmem:v10+s11+$0x0], $0xffff  }
0xb9: {  	v23 =	vadd.s32 $0x2780, v9;
	v11 =	vld.idx.msk [tilespmem:v11+s11+$0x0], $0xffff  }
0xba: {  	v12 =	vld.idx.msk [tilespmem:v12+s11+$0x0], $0xffff  }
0xbb: {  	v24 =	vadd.s32 $0x2780, v6;
	v25 =	vadd.s32 $0x4F00, v6;
	v26 =	vadd.s32 $0x7680, v6;
	v27 =	vld [tilespmem:s22+$0xFFFFFFF0]  }
0xbc: {  	v5 =	vadd.s32 $0x9E00, v6;
	v28 =	vld [tilespmem:s22+$0x0]  }
0xbd: {  	[tilespmem:v15+s17+$0x0] =	vst.idx.add.f32.msk $0xffff, v22  }
0xbe: {  	v22 =	vld.idx.msk [tilespmem:v23+s11+$0x0], $0xffff  }
0xbf: {  	v23 =	vadd.s32 $0x2780, v15;
	[tilespmem:v4+s17+$0x0] =	vst.idx.add.f32.msk $0xffff, v1  }
0xc0: {  	v30 =	vadd.s32 $0x4F00, v9;
	[tilespmem:v6+s17+$0x0] =	vst.idx.add.f32.msk $0xffff, v12;
	v12 =	vadd.s32 $0x2780, v27;
	v29 =	vadd.s32 $0x4F00, v27  }
0xc1: {  	v6 =	vadd.s32 $0x7680, v27;
	v19 =	vld.idx.msk [tilespmem:v19+s11+$0x0], $0xffff;
	v31 =	vadd.s32 $0x2780, v28;
	v32 =	vadd.s32 $0x4F00, v28  }
0xc2: {  	v4 =	vadd.s32 $0x9E00, v27;
	v33 =	vadd.s32 $0x9E00, v28;
	[tilespmem:v3+s17+$0x0] =	vst.idx.add.f32.msk $0xffff, v7;
	v3 =	vadd.s32 $0x7680, v28  }
0xc3: {  	[tilespmem:v27+s17+$0x0] =	vst.idx.add.f32.msk $0xffff, v10  }
0xc4: {  	[tilespmem:v23+s17+$0x0] =	vst.idx.add.f32.msk $0xffff, v22  }
0xc5: {  	v7 =	vld.idx.msk [tilespmem:v30+s11+$0x0], $0xffff  }
0xc6: {  	v10 =	vadd.s32 $0x4F00, v15;
	[tilespmem:v28+s17+$0x0] =	vst.idx.add.f32.msk $0xffff, v11  }
0xc7: {  	v9 =	vadd.s32 $0x7680, v9;
	v8 =	vld.idx.msk [tilespmem:v8+s11+$0x0], $0xffff  }
0xc8: {  	v11 =	vld.idx.msk [tilespmem:v16+s11+$0x0], $0xffff  }
0xc9: {  	[tilespmem:v24+s17+$0x0] =	vst.idx.add.f32.msk $0xffff, v19  }
0xca: {  	v16 =	vld.idx.msk [tilespmem:v20+s11+$0x0], $0xffff  }
0xcb: {  	[tilespmem:v10+s17+$0x0] =	vst.idx.add.f32.msk $0xffff, v7  }
0xcc: {  	v7 =	vld.idx.msk [tilespmem:v9+s11+$0x0], $0xffff  }
0xcd: {  	[tilespmem:v12+s17+$0x0] =	vst.idx.add.f32.msk $0xffff, v8;
	v8 =	vadd.s32 $0x7680, v15  }
0xce: {  	v9 =	vadd.s32 $0x9E00, v15;
	[tilespmem:v31+s17+$0x0] =	vst.idx.add.f32.msk $0xffff, v11  }
0xcf: {  	v10 =	vld.idx.msk [tilespmem:v13+s11+$0x0], $0xffff  }
0xd0: {  	v11 =	vld.idx.msk [tilespmem:v17+s11+$0x0], $0xffff  }
0xd1: {  	[tilespmem:v25+s17+$0x0] =	vst.idx.add.f32.msk $0xffff, v16  }
0xd2: {  	[tilespmem:v8+s17+$0x0] =	vst.idx.add.f32.msk $0xffff, v7  }
0xd3: {  	[tilespmem:v9+s17+$0x0] =	vst.idx.add.f32.msk $0xffff, v1  }
0xd4: {  	v9 =	vld.idx.msk [tilespmem:v21+s11+$0x0], $0xffff  }
0xd5: {  	[tilespmem:v29+s17+$0x0] =	vst.idx.add.f32.msk $0xffff, v10  }
.Ltmp2:
0xd6: {  	[tilespmem:v32+s17+$0x0] =	vst.idx.add.f32.msk $0xffff, v11;
	(pc) =	sbr.rel @p1 .LBB2_7-.Ltmp2, $4  }
0xd7: {  	v8 =	vld.idx.msk [tilespmem:v14+s11+$0x0], $0xffff  }
0xd8: {  	v7 =	vld.idx.msk [tilespmem:v18+s11+$0x0], $0xffff  }
0xd9: {  	[tilespmem:v2+s17+$0x0] =	vst.idx.add.f32.msk $0xffff, v1;
	v2 =	vmov v33  }
0xda: {  	s24 =	sadd.s32 $0x40, s24;
	[tilespmem:v26+s17+$0x0] =	vst.idx.add.f32.msk $0xffff, v9  }
0xdb: {  	_ =	sdelay $0x3  }
0xdc: {  	[tilespmem:v5+s17+$0x0] =	vst.idx.add.f32.msk $0xffff, v1  }
0xdd: {  	s21 =	smin.u32 s21, $0x46500;
	s20 =	sadd.s32 $0x1, s20;
	[tilespmem:v6+s17+$0x0] =	vst.idx.add.f32.msk $0xffff, v8  }
0xde: {  	s21 =	sshrl.u32 s21, $0x3;
	p1 =	sne.s32 s20, $0x14;
	[tilespmem:v4+s17+$0x0] =	vst.idx.add.f32.msk $0xffff, v1  }
.Ltmp3:
0xdf: {  	[tilespmem:v3+s17+$0x0] =	vst.idx.add.f32.msk $0xffff, v7;
	s21 =	sadd.s32 $0xBB8, s21;
	(pc) =	sbr.rel @p1 .LBB2_4-.Ltmp3, $4  }
0xe0: {  	[tilespmem:v2+s17+$0x0] =	vst.idx.add.f32.msk $0xffff, v1;
	s22 =	sadd.s32 s3, s21  }
0xe1: {  	[tilespmem:s14], [sflag:$0x2] =	stream.linear.gather [hbm4b:s22+s2], $0x1F40, $0x38;
	[tilespmem:$0x1E180] =	vst v63  }
0xe2: {  	s21 =	sadd.s32 s4, s21  }
0xe3: {  	[tilespmem:s15], [sflag:$0x2] =	stream.linear.gather [hbm4b:s21+s2], $0x1F40, $0x38;
	[tilespmem:$0x1E180] =	vst v63  }
0xe4: {  	_ =	swait.ge [sflag:s16], $0x1F40  }
0xe5: {  	[sflag:s16] =	ssyncset.done $0x0  }
0xe6: {  	[sflag:s16] =	ssyncadd.s32 $0xFFFFE0C0  }
0xe7: {  	_ =	swait.ge [sflag:s16], $0x1F40  }
0xe8: {  	[sflag:s16] =	ssyncset.done $0x0  }
0xe9: {  	[sflag:s16] =	ssyncadd.s32 $0xFFFFE0C0  }
0xea: {  	_ =	swait.ge [sflag:s18], $0x1F40  }
0xeb: {  	[sflag:s18] =	ssyncset.done $0x0  }
0xec: {  	[sflag:s18] =	ssyncadd.s32 $0xFFFFE0C0  }
0xed: {  	_ =	swait.ge [sflag:s18], $0x1F40  }
0xee: {  	[sflag:s18] =	ssyncset.done $0x0  }
0xef: {  	[sflag:s18] =	ssyncadd.s32 $0xFFFFE0C0  }
0xf0: {  	[hbm4b:s9+s2] =	stream.linear.scatter [tilespmem:s17], [sflag:$0x3], $0x9E00, $0x38;
	[tilespmem:$0x1E180] =	vst v63  }
0xf1: {  	_ =	swait.ge [sflag:s12], $0x9E00  }
0xf2: {  	s20 =	simm.s32 @!p0 $0x0;
	s19 =	sadd.s32 $0x1, s19;
	[sflag:s12] =	ssyncset.done $0x0  }
0xf3: {  	s21 =	simm.s32 @!p0 $0x1BA00;
	p1 =	sne.s32 s19, s10;
	[sflag:s12] =	ssyncadd.s32 $0xFFFF6200  }
0xf4: {  	[hbm4b:s5+s20] =	stream.linear.scatter @!p0 [tilespmem:s21], [sflag:$0x3], $0x2780, $0x38;
	[tilespmem:$0x1E180] =	vst v63  }
.Ltmp4:
0xf5: {  	_ = 	snop;
	(pc) =	sbr.rel @p1 .LBB2_1-.Ltmp4, $4  }
0xf6: {  	s20 =	simm.s32 @!p0 $0x3  }
0xf7: {  	_ =	swait.ge @!p0 [sflag:s20], $0x2780  }
0xf8: {  	[sflag:s20] =	ssyncset.done @!p0 $0x0  }
0xf9: {  	[sflag:s20] =	ssyncadd.s32 @!p0 $0xFFFFD880  }
0xfa: {  	_ =	sfence.sel $0x180000  }
0xfb: {  	[bflag:$0x0] =	sbarrier.arrive $0xFFFF  }
0xfc: {  	p0 =	sne.s32 s1, $0x0;
	_ =	strace $0x90000047  }
0xfd: {  	s0 =	sadd.s32 @!p0 $0x100000, s0;
	[bflag:$0x2] =	sbarrier.arrive $0xFFFF  }
0xfe: {  	[sflag:s0] =	ssyncadd.tile.s32 @!p0 $0x1;
	_ =	shalt  }
.Lfunc_end2:
_tile_overlayer_lowered:
.L_overlay_start_2:
0xff: {  	(tag) =	ssettag $0x2  }
0x100: {  	s0 =	rddreg [dreg:$0x0];
	s2 =	stileid.u32  }
0x101: {  	s1 =	rddreg [dreg:$0x1];
	p0 =	sne.s32 s2, $0x0  }
0x102: {  	s3 =	rddreg [dreg:$0x2];
	[bflag:$0x3] =	sbarrier.arrive $0xFFFF;
	s2 =	simm.s32 @!p0 $0x1C03  }
0x103: {  	[timem:s3], [sflag:s2] =	dma.local @!p0 [hbm:s0], s1  }
0x104: {  	s0 =	simm.s32 @!p0 $0x3  }
0x105: {  	_ =	swait.ge @!p0 [sflag:s0], s1  }
0x106: {  	s1 =	ssub.s32 @!p0 $0x0, s1;
	[sflag:s0] =	ssyncset.done @!p0 $0x0  }
0x107: {  	[sflag:s0] =	ssyncadd.s32 @!p0 s1  }
0x108: {  	[bflag:$0x3] =	sbarrier.arrive $0xFFFF  }
0x109: {  	_ =	shalt  }

</sc_bundles>
